<compile_context>
chip_gen: v7x
topology: tpu7x:2x2x1
jax: 0.10.2.dev20260603
libtpu: 0.0.44.dev20260713+nightly
codegen_flags: <defaults>
</compile_context>

<pallas_src>
import functools

import jax
import jax.numpy as jnp
from jax import lax
from jax.experimental import pallas as pl
from jax.experimental.pallas import tpu as pltpu
from jax.experimental.pallas import tpu_sc as plsc

_L = 16


def _span_extract_sc(B, S, D, N, WDIM, WPAD, n_workers):
    total = B * N
    assert total % n_workers == 0
    per_w = total // n_workers
    C = _L
    assert per_w % C == 0
    n_chunks = per_w // C
    NBUF = 3
    logN = N.bit_length() - 1
    assert N == (1 << logN)

    mesh = plsc.VectorSubcoreMesh(core_axis_name="c", subcore_axis_name="s")

    @functools.partial(
        pl.kernel,
        mesh=mesh,
        out_type=jax.ShapeDtypeStruct((total, 2 * D + WPAD), jnp.float32),
        scratch_types=[
            pltpu.VMEM((per_w,), jnp.int32),
            pltpu.VMEM((per_w,), jnp.int32),
            pltpu.VMEM((2 * per_w,), jnp.int32),
            pltpu.VMEM((per_w,), jnp.int32),
            pltpu.VMEM((NBUF, 2 * C, D), jnp.float32),
            pltpu.VMEM((per_w, WPAD), jnp.float32),
            pltpu.SemaphoreType.DMA,
            pltpu.SemaphoreType.DMA,
            pltpu.SemaphoreType.DMA,
        ],
    )
    def k(seq_hbm, starts_hbm, ends_hbm, wemb_hbm, out_hbm,
          rs_v, re_v, idx_v, widx_v, rows_v, wrow_v, gsem, wsem, wsem2):
        wid = lax.axis_index("s") * 2 + lax.axis_index("c")
        base_span = wid * per_w
        lane = lax.iota(jnp.int32, _L)

        c1 = pltpu.async_copy(starts_hbm.at[pl.ds(base_span, per_w)], rs_v, gsem)
        c2 = pltpu.async_copy(ends_hbm.at[pl.ds(base_span, per_w)], re_v, gsem)
        c1.wait()
        c2.wait()

        def compute_indices(j):
            off = j * _L + lane
            s = rs_v[pl.ds(j * _L, _L)]
            e = re_v[pl.ds(j * _L, _L)]
            fb = lax.shift_right_logical(base_span + off, logN) * S
            idx_v[pl.ds(2 * C * j, _L)] = fb + s
            idx_v[pl.ds(2 * C * j + C, _L)] = fb + e
            widx_v[pl.ds(j * _L, _L)] = e - s

        def fire_gather(c):
            slot = c % NBUF
            return (
                pltpu.async_copy(
                    seq_hbm.at[idx_v.at[pl.ds(2 * C * c, 2 * C)]],
                    rows_v.at[slot], gsem),
            )

        def fire_writes(c):
            slot = c % NBUF
            sb = base_span + c * C
            return (
                pltpu.async_copy(rows_v.at[slot, pl.ds(0, C)],
                                 out_hbm.at[pl.ds(sb, C), pl.ds(0, D)], wsem),
                pltpu.async_copy(rows_v.at[slot, pl.ds(C, C)],
                                 out_hbm.at[pl.ds(sb, C), pl.ds(D, D)], wsem),
            )

        gathers = {}
        writes = {}
        n_prime = min(NBUF - 1, n_chunks)
        assert C == _L
        for c in range(n_prime):
            compute_indices(c)
            gathers[c] = fire_gather(c)
        for j in range(n_prime, per_w // _L):
            compute_indices(j)
        wg = pltpu.async_copy(wemb_hbm.at[widx_v], wrow_v, wsem2)
        wg.wait()
        wwrite = pltpu.async_copy(
            wrow_v, out_hbm.at[pl.ds(base_span, per_w), pl.ds(2 * D, WPAD)], wsem2)
        for c in range(n_chunks):
            for d in gathers.pop(c):
                d.wait()
            writes[c] = fire_writes(c)
            nxt = c + NBUF - 1
            if nxt < n_chunks:
                prev = nxt - NBUF
                if prev >= 0:
                    for d in writes.pop(prev):
                        d.wait()
                gathers[nxt] = fire_gather(nxt)
        for ds in writes.values():
            for d in ds:
                d.wait()
        wwrite.wait()

    return k


def kernel(sequence_tensor, span_indices, width_embedding):
    B, S, D = sequence_tensor.shape
    _, N, _ = span_indices.shape
    WDIM = width_embedding.shape[1]
    total = B * N
    seq_flat = sequence_tensor.reshape(B * S, D)
    starts_flat = span_indices[:, :, 0].reshape(-1).astype(jnp.int32)
    ends_flat = span_indices[:, :, 1].reshape(-1).astype(jnp.int32)
    WPAD = ((WDIM + 127) // 128) * 128
    wemb = jnp.pad(width_embedding, ((0, 0), (0, WPAD - WDIM)))
    rows = _span_extract_sc(B, S, D, N, WDIM, WPAD, 32)(
        seq_flat, starts_flat, ends_flat, wemb)
    return rows[:, :2 * D + WDIM].reshape(B, N, 2 * D + WDIM)

# --- scband reference (transcript-rebuilt; emitter-appended) ---
"""Pipeline reference for scband-span-extractor-24300924961243 (READ-ONLY COPY).

The authoritative reference and input builder live on the scoring server;
editing this copy changes nothing except your own understanding.
"""

import jax, jax.numpy as jnp
import numpy as np

B, S, D = 4, 4096, 1024
N_SPANS = 512
NUM_WIDTH_EMB, WIDTH_DIM = 4096, 64


def setup_inputs(seed: int = 0) -> dict:
    key = jax.random.key(seed)
    k1, k2, k3 = jax.random.split(key, 3)
    sequence_tensor = jax.random.normal(k1, (B, S, D), dtype=jnp.float32)
    # inclusive (start, end) indices; sort last dim so start <= end
    span_indices = jnp.sort(jax.random.randint(k2, (B, N_SPANS, 2), 0, S, dtype=jnp.int32), axis=-1)
    # learned span-width embedding table (nn.Embedding(num_width_embeddings, span_width_embedding_dim))
    width_embedding = jax.random.normal(k3, (NUM_WIDTH_EMB, WIDTH_DIM), dtype=jnp.float32) * 0.02
    return {"sequence_tensor": sequence_tensor, "span_indices": span_indices, "width_embedding": width_embedding}


def reference(sequence_tensor, span_indices, width_embedding):
    # _embed_spans: endpoint span extraction (gather start and end token embeddings, concat)
    starts = span_indices[..., 0]  # [B, N]
    ends = span_indices[..., 1]    # [B, N]
    start_emb = jnp.take_along_axis(sequence_tensor, starts[..., None], axis=1)  # [B, N, D]
    end_emb = jnp.take_along_axis(sequence_tensor, ends[..., None], axis=1)      # [B, N, D]
    span_embeddings = jnp.concatenate([start_emb, end_emb], axis=-1)             # [B, N, 2D]
    # span width embedding branch: widths_minus_one = end - start (inclusive indices)
    widths_minus_one = ends - starts
    span_width_embeddings = jnp.take(width_embedding, widths_minus_one, axis=0)  # [B, N, WIDTH_DIM]
    span_embeddings = jnp.concatenate([span_embeddings, span_width_embeddings], axis=-1)
    return span_embeddings  # [B, N, 2D + WIDTH_DIM]

if __name__ == "__main__":
    import jax
    _d = setup_inputs()
    print(jax.jit(kernel)(*tuple(_d.values())))

</pallas_src>

<mosaic_0001>
#map = affine_map<(d0, d1) -> (0, 0)>
#map1 = affine_map<(d0, d1) -> (0)>
module attributes {stable_mosaic.version = 14 : i64} {
  func.func @k(%arg0: i32, %arg1: i32, %arg2: memref<16384x1024xf32, #tpu.memory_space<hbm>>, %arg3: memref<2048xi32, #tpu.memory_space<hbm>>, %arg4: memref<2048xi32, #tpu.memory_space<hbm>>, %arg5: memref<4096x128xf32, #tpu.memory_space<hbm>>, %arg6: memref<2048x2176xf32, #tpu.memory_space<hbm>>, %arg7: memref<64xi32, #tpu.memory_space<vmem>>, %arg8: memref<64xi32, #tpu.memory_space<vmem>>, %arg9: memref<128xi32, #tpu.memory_space<vmem>>, %arg10: memref<64xi32, #tpu.memory_space<vmem>>, %arg11: memref<3x32x1024xf32, #tpu.memory_space<vmem>>, %arg12: memref<64x128xf32, #tpu.memory_space<vmem>>, %arg13: memref<!tpu.dma_semaphore, #tpu.memory_space<semaphore_mem>>, %arg14: memref<!tpu.dma_semaphore, #tpu.memory_space<semaphore_mem>>, %arg15: memref<!tpu.dma_semaphore, #tpu.memory_space<semaphore_mem>>) attributes {dimension_semantics = [#tpu.dimension_semantics<core_parallel>, #tpu.dimension_semantics<subcore_parallel>], iteration_bounds = array<i64: 2, 16>, scalar_prefetch = 0 : i64, scratch_operands = 9 : i64, tpu.core_type = #tpu.core_type<sc_vector_subcore>, window_params = [{transform_indices = #map}, {transform_indices = #map1}, {transform_indices = #map1}, {transform_indices = #map}, {transform_indices = #map}]} {
    %mul3A = arith.constant 2 : i32
    %mul3A_0 = arith.muli %arg1, %mul3A : i32
    %add3A = arith.addi %mul3A_0, %arg0 : i32
    %mul3A_1 = arith.constant 64 : i32
    %mul3A_2 = arith.muli %add3A, %mul3A_1 : i32
    %iota3A = tpu.iota {dimensions = array<i32: 0>} : vector<16xi32>
    %dma_start3A = tpu.memref_slice %arg3[%mul3A_2] : memref<2048xi32, #tpu.memory_space<hbm>> -> memref<64xi32, #tpu.memory_space<hbm>>
    %dma_start3A_3 = tpu.memref_slice %arg3[%mul3A_2] : memref<2048xi32, #tpu.memory_space<hbm>> -> memref<64xi32, #tpu.memory_space<hbm>>
    tpu.enqueue_dma source(%dma_start3A_3 : memref<64xi32, #tpu.memory_space<hbm>>) target(%arg7 : memref<64xi32, #tpu.memory_space<vmem>>) target_semaphore(%arg13 : memref<!tpu.dma_semaphore, #tpu.memory_space<semaphore_mem>>)
    %dma_start3A_4 = tpu.memref_slice %arg4[%mul3A_2] : memref<2048xi32, #tpu.memory_space<hbm>> -> memref<64xi32, #tpu.memory_space<hbm>>
    %dma_start3A_5 = tpu.memref_slice %arg4[%mul3A_2] : memref<2048xi32, #tpu.memory_space<hbm>> -> memref<64xi32, #tpu.memory_space<hbm>>
    tpu.enqueue_dma source(%dma_start3A_5 : memref<64xi32, #tpu.memory_space<hbm>>) target(%arg8 : memref<64xi32, #tpu.memory_space<vmem>>) target_semaphore(%arg13 : memref<!tpu.dma_semaphore, #tpu.memory_space<semaphore_mem>>)
    %dma_wait3A = tpu.memref_slice %arg3[%mul3A_2] : memref<2048xi32, #tpu.memory_space<hbm>> -> memref<64xi32, #tpu.memory_space<hbm>>
    %dma_wait3A_6 = tpu.memref_slice %arg3[%mul3A_2] : memref<2048xi32, #tpu.memory_space<hbm>> -> memref<64xi32, #tpu.memory_space<hbm>>
    tpu.wait_dma2 semaphore(%arg13 : memref<!tpu.dma_semaphore, #tpu.memory_space<semaphore_mem>>) src(%dma_wait3A_6 : memref<64xi32, #tpu.memory_space<hbm>>) dst(%arg7 : memref<64xi32, #tpu.memory_space<vmem>>)
    %dma_wait3A_7 = tpu.memref_slice %arg4[%mul3A_2] : memref<2048xi32, #tpu.memory_space<hbm>> -> memref<64xi32, #tpu.memory_space<hbm>>
    %dma_wait3A_8 = tpu.memref_slice %arg4[%mul3A_2] : memref<2048xi32, #tpu.memory_space<hbm>> -> memref<64xi32, #tpu.memory_space<hbm>>
    tpu.wait_dma2 semaphore(%arg13 : memref<!tpu.dma_semaphore, #tpu.memory_space<semaphore_mem>>) src(%dma_wait3A_8 : memref<64xi32, #tpu.memory_space<hbm>>) dst(%arg8 : memref<64xi32, #tpu.memory_space<vmem>>)
    %add3A_9 = arith.constant 0 : i32
    %add3A_10 = vector.broadcast %add3A_9 : i32 to vector<16xi32>
    %add3A_11 = arith.addi %add3A_10, %iota3A : vector<16xi32>
    %get3A = arith.constant 0 : index
    %get3A_12 = tpu.vector_load %arg7[%get3A] {strides = array<i32>} : memref<64xi32, #tpu.memory_space<vmem>>, vector<16xi32>,
    %get3A_13 = vector.shape_cast %get3A_12 : vector<16xi32> to vector<16xi32>
    %get3A_14 = arith.constant 0 : index
    %get3A_15 = tpu.vector_load %arg8[%get3A_14] {strides = array<i32>} : memref<64xi32, #tpu.memory_space<vmem>>, vector<16xi32>,
    %get3A_16 = vector.shape_cast %get3A_15 : vector<16xi32> to vector<16xi32>
    %add3A_17 = vector.broadcast %mul3A_2 : i32 to vector<16xi32>
    %add3A_18 = arith.addi %add3A_17, %add3A_11 : vector<16xi32>
    %shift_right_logical3A = arith.constant 9 : i32
    %shift_right_logical3A_19 = vector.broadcast %shift_right_logical3A : i32 to vector<16xi32>
    %shift_right_logical3A_20 = arith.shrui %add3A_18, %shift_right_logical3A_19 : vector<16xi32>
    %mul3A_21 = arith.constant 4096 : i32
    %mul3A_22 = vector.broadcast %mul3A_21 : i32 to vector<16xi32>
    %mul3A_23 = arith.muli %shift_right_logical3A_20, %mul3A_22 : vector<16xi32>
    %add3A_24 = arith.addi %mul3A_23, %get3A_13 : vector<16xi32>
    %swap3A = arith.constant 0 : index
    %swap3A_25 = tpu.vector_load %arg9[%swap3A] {strides = array<i32>} : memref<128xi32, #tpu.memory_space<vmem>>, vector<16xi32>,
    %swap3A_26 = vector.shape_cast %swap3A_25 : vector<16xi32> to vector<16xi32>
    %swap3A_27 = vector.shape_cast %add3A_24 : vector<16xi32> to vector<16xi32>
    tpu.vector_store %arg9[%swap3A], %swap3A_27 {strides = array<i32>} : memref<128xi32, #tpu.memory_space<vmem>>, vector<16xi32>,
    %add3A_28 = arith.addi %mul3A_23, %get3A_16 : vector<16xi32>
    %swap3A_29 = arith.constant 16 : index
    %swap3A_30 = tpu.vector_load %arg9[%swap3A_29] {strides = array<i32>} : memref<128xi32, #tpu.memory_space<vmem>>, vector<16xi32>,
    %swap3A_31 = vector.shape_cast %swap3A_30 : vector<16xi32> to vector<16xi32>
    %swap3A_32 = vector.shape_cast %add3A_28 : vector<16xi32> to vector<16xi32>
    tpu.vector_store %arg9[%swap3A_29], %swap3A_32 {strides = array<i32>} : memref<128xi32, #tpu.memory_space<vmem>>, vector<16xi32>,
    %sub3A = arith.subi %get3A_16, %get3A_13 : vector<16xi32>
    %swap3A_33 = arith.constant 0 : index
    %swap3A_34 = tpu.vector_load %arg10[%swap3A_33] {strides = array<i32>} : memref<64xi32, #tpu.memory_space<vmem>>, vector<16xi32>,
    %swap3A_35 = vector.shape_cast %swap3A_34 : vector<16xi32> to vector<16xi32>
    %swap3A_36 = vector.shape_cast %sub3A : vector<16xi32> to vector<16xi32>
    tpu.vector_store %arg10[%swap3A_33], %swap3A_36 {strides = array<i32>} : memref<64xi32, #tpu.memory_space<vmem>>, vector<16xi32>,
    %dma_start3A_37 = arith.constant 0 : i32
    %dma_start3A_38 = arith.constant 0 : i32
    %dma_start3A_39 = arith.constant 0 : i32
    %dma_start3A_40 = tpu.memref_slice %arg11[%dma_start3A_37, %dma_start3A_38, %dma_start3A_39] : memref<3x32x1024xf32, #tpu.memory_space<vmem>> -> memref<1x32x1024xf32, #tpu.memory_space<vmem>>
    %dma_start3A_41 = tpu.memref_squeeze %dma_start3A_40 : memref<1x32x1024xf32, #tpu.memory_space<vmem>> -> memref<32x1024xf32, #tpu.memory_space<vmem>>
    %dma_start3A_42 = arith.constant 0 : i32
    %dma_start3A_43 = tpu.memref_slice %arg9[%dma_start3A_42] : memref<128xi32, #tpu.memory_space<vmem>> -> memref<32xi32, #tpu.memory_space<vmem>>
    %dma_start3A_44 = arith.constant 0 : i32
    %dma_start3A_45 = arith.constant 0 : i32
    %dma_start3A_46 = tpu.memref_slice %arg2[%dma_start3A_44, %dma_start3A_45] : memref<16384x1024xf32, #tpu.memory_space<hbm>> -> memref<16384x1024xf32, #tpu.memory_space<hbm>>
    tpu.enqueue_indirect_dma source(%dma_start3A_46 : memref<16384x1024xf32, #tpu.memory_space<hbm>>) target(%dma_start3A_41 : memref<32x1024xf32, #tpu.memory_space<vmem>>) offsets(%dma_start3A_43 : memref<32xi32, #tpu.memory_space<vmem>>) semaphore(%arg13 : memref<!tpu.dma_semaphore, #tpu.memory_space<semaphore_mem>>)
    %add3A_47 = arith.constant 16 : i32
    %add3A_48 = vector.broadcast %add3A_47 : i32 to vector<16xi32>
    %add3A_49 = arith.addi %add3A_48, %iota3A : vector<16xi32>
    %get3A_50 = arith.constant 16 : index
    %get3A_51 = tpu.vector_load %arg7[%get3A_50] {strides = array<i32>} : memref<64xi32, #tpu.memory_space<vmem>>, vector<16xi32>,
    %get3A_52 = vector.shape_cast %get3A_51 : vector<16xi32> to vector<16xi32>
    %get3A_53 = arith.constant 16 : index
    %get3A_54 = tpu.vector_load %arg8[%get3A_53] {strides = array<i32>} : memref<64xi32, #tpu.memory_space<vmem>>, vector<16xi32>,
    %get3A_55 = vector.shape_cast %get3A_54 : vector<16xi32> to vector<16xi32>
    %add3A_56 = vector.broadcast %mul3A_2 : i32 to vector<16xi32>
    %add3A_57 = arith.addi %add3A_56, %add3A_49 : vector<16xi32>
    %shift_right_logical3A_58 = arith.constant 9 : i32
    %shift_right_logical3A_59 = vector.broadcast %shift_right_logical3A_58 : i32 to vector<16xi32>
    %shift_right_logical3A_60 = arith.shrui %add3A_57, %shift_right_logical3A_59 : vector<16xi32>
    %mul3A_61 = arith.constant 4096 : i32
    %mul3A_62 = vector.broadcast %mul3A_61 : i32 to vector<16xi32>
    %mul3A_63 = arith.muli %shift_right_logical3A_60, %mul3A_62 : vector<16xi32>
    %add3A_64 = arith.addi %mul3A_63, %get3A_52 : vector<16xi32>
    %swap3A_65 = arith.constant 32 : index
    %swap3A_66 = tpu.vector_load %arg9[%swap3A_65] {strides = array<i32>} : memref<128xi32, #tpu.memory_space<vmem>>, vector<16xi32>,
    %swap3A_67 = vector.shape_cast %swap3A_66 : vector<16xi32> to vector<16xi32>
    %swap3A_68 = vector.shape_cast %add3A_64 : vector<16xi32> to vector<16xi32>
    tpu.vector_store %arg9[%swap3A_65], %swap3A_68 {strides = array<i32>} : memref<128xi32, #tpu.memory_space<vmem>>, vector<16xi32>,
    %add3A_69 = arith.addi %mul3A_63, %get3A_55 : vector<16xi32>
    %swap3A_70 = arith.constant 48 : index
    %swap3A_71 = tpu.vector_load %arg9[%swap3A_70] {strides = array<i32>} : memref<128xi32, #tpu.memory_space<vmem>>, vector<16xi32>,
    %swap3A_72 = vector.shape_cast %swap3A_71 : vector<16xi32> to vector<16xi32>
    %swap3A_73 = vector.shape_cast %add3A_69 : vector<16xi32> to vector<16xi32>
    tpu.vector_store %arg9[%swap3A_70], %swap3A_73 {strides = array<i32>} : memref<128xi32, #tpu.memory_space<vmem>>, vector<16xi32>,
    %sub3A_74 = arith.subi %get3A_55, %get3A_52 : vector<16xi32>
    %swap3A_75 = arith.constant 16 : index
    %swap3A_76 = tpu.vector_load %arg10[%swap3A_75] {strides = array<i32>} : memref<64xi32, #tpu.memory_space<vmem>>, vector<16xi32>,
    %swap3A_77 = vector.shape_cast %swap3A_76 : vector<16xi32> to vector<16xi32>
    %swap3A_78 = vector.shape_cast %sub3A_74 : vector<16xi32> to vector<16xi32>
    tpu.vector_store %arg10[%swap3A_75], %swap3A_78 {strides = array<i32>} : memref<64xi32, #tpu.memory_space<vmem>>, vector<16xi32>,
    %dma_start3A_79 = arith.constant 1 : i32
    %dma_start3A_80 = arith.constant 0 : i32
    %dma_start3A_81 = arith.constant 0 : i32
    %dma_start3A_82 = tpu.memref_slice %arg11[%dma_start3A_79, %dma_start3A_80, %dma_start3A_81] : memref<3x32x1024xf32, #tpu.memory_space<vmem>> -> memref<1x32x1024xf32, #tpu.memory_space<vmem>>
    %dma_start3A_83 = tpu.memref_squeeze %dma_start3A_82 : memref<1x32x1024xf32, #tpu.memory_space<vmem>> -> memref<32x1024xf32, #tpu.memory_space<vmem>>
    %dma_start3A_84 = arith.constant 32 : i32
    %dma_start3A_85 = tpu.memref_slice %arg9[%dma_start3A_84] : memref<128xi32, #tpu.memory_space<vmem>> -> memref<32xi32, #tpu.memory_space<vmem>>
    %dma_start3A_86 = arith.constant 0 : i32
    %dma_start3A_87 = arith.constant 0 : i32
    %dma_start3A_88 = tpu.memref_slice %arg2[%dma_start3A_86, %dma_start3A_87] : memref<16384x1024xf32, #tpu.memory_space<hbm>> -> memref<16384x1024xf32, #tpu.memory_space<hbm>>
    tpu.enqueue_indirect_dma source(%dma_start3A_88 : memref<16384x1024xf32, #tpu.memory_space<hbm>>) target(%dma_start3A_83 : memref<32x1024xf32, #tpu.memory_space<vmem>>) offsets(%dma_start3A_85 : memref<32xi32, #tpu.memory_space<vmem>>) semaphore(%arg13 : memref<!tpu.dma_semaphore, #tpu.memory_space<semaphore_mem>>)
    %add3A_89 = arith.constant 32 : i32
    %add3A_90 = vector.broadcast %add3A_89 : i32 to vector<16xi32>
    %add3A_91 = arith.addi %add3A_90, %iota3A : vector<16xi32>
    %get3A_92 = arith.constant 32 : index
    %get3A_93 = tpu.vector_load %arg7[%get3A_92] {strides = array<i32>} : memref<64xi32, #tpu.memory_space<vmem>>, vector<16xi32>,
    %get3A_94 = vector.shape_cast %get3A_93 : vector<16xi32> to vector<16xi32>
    %get3A_95 = arith.constant 32 : index
    %get3A_96 = tpu.vector_load %arg8[%get3A_95] {strides = array<i32>} : memref<64xi32, #tpu.memory_space<vmem>>, vector<16xi32>,
    %get3A_97 = vector.shape_cast %get3A_96 : vector<16xi32> to vector<16xi32>
    %add3A_98 = vector.broadcast %mul3A_2 : i32 to vector<16xi32>
    %add3A_99 = arith.addi %add3A_98, %add3A_91 : vector<16xi32>
    %shift_right_logical3A_100 = arith.constant 9 : i32
    %shift_right_logical3A_101 = vector.broadcast %shift_right_logical3A_100 : i32 to vector<16xi32>
    %shift_right_logical3A_102 = arith.shrui %add3A_99, %shift_right_logical3A_101 : vector<16xi32>
    %mul3A_103 = arith.constant 4096 : i32
    %mul3A_104 = vector.broadcast %mul3A_103 : i32 to vector<16xi32>
    %mul3A_105 = arith.muli %shift_right_logical3A_102, %mul3A_104 : vector<16xi32>
    %add3A_106 = arith.addi %mul3A_105, %get3A_94 : vector<16xi32>
    %swap3A_107 = arith.constant 64 : index
    %swap3A_108 = tpu.vector_load %arg9[%swap3A_107] {strides = array<i32>} : memref<128xi32, #tpu.memory_space<vmem>>, vector<16xi32>,
    %swap3A_109 = vector.shape_cast %swap3A_108 : vector<16xi32> to vector<16xi32>
    %swap3A_110 = vector.shape_cast %add3A_106 : vector<16xi32> to vector<16xi32>
    tpu.vector_store %arg9[%swap3A_107], %swap3A_110 {strides = array<i32>} : memref<128xi32, #tpu.memory_space<vmem>>, vector<16xi32>,
    %add3A_111 = arith.addi %mul3A_105, %get3A_97 : vector<16xi32>
    %swap3A_112 = arith.constant 80 : index
    %swap3A_113 = tpu.vector_load %arg9[%swap3A_112] {strides = array<i32>} : memref<128xi32, #tpu.memory_space<vmem>>, vector<16xi32>,
    %swap3A_114 = vector.shape_cast %swap3A_113 : vector<16xi32> to vector<16xi32>
    %swap3A_115 = vector.shape_cast %add3A_111 : vector<16xi32> to vector<16xi32>
    tpu.vector_store %arg9[%swap3A_112], %swap3A_115 {strides = array<i32>} : memref<128xi32, #tpu.memory_space<vmem>>, vector<16xi32>,
    %sub3A_116 = arith.subi %get3A_97, %get3A_94 : vector<16xi32>
    %swap3A_117 = arith.constant 32 : index
    %swap3A_118 = tpu.vector_load %arg10[%swap3A_117] {strides = array<i32>} : memref<64xi32, #tpu.memory_space<vmem>>, vector<16xi32>,
    %swap3A_119 = vector.shape_cast %swap3A_118 : vector<16xi32> to vector<16xi32>
    %swap3A_120 = vector.shape_cast %sub3A_116 : vector<16xi32> to vector<16xi32>
    tpu.vector_store %arg10[%swap3A_117], %swap3A_120 {strides = array<i32>} : memref<64xi32, #tpu.memory_space<vmem>>, vector<16xi32>,
    %add3A_121 = arith.constant 48 : i32
    %add3A_122 = vector.broadcast %add3A_121 : i32 to vector<16xi32>
    %add3A_123 = arith.addi %add3A_122, %iota3A : vector<16xi32>
    %get3A_124 = arith.constant 48 : index
    %get3A_125 = tpu.vector_load %arg7[%get3A_124] {strides = array<i32>} : memref<64xi32, #tpu.memory_space<vmem>>, vector<16xi32>,
    %get3A_126 = vector.shape_cast %get3A_125 : vector<16xi32> to vector<16xi32>
    %get3A_127 = arith.constant 48 : index
    %get3A_128 = tpu.vector_load %arg8[%get3A_127] {strides = array<i32>} : memref<64xi32, #tpu.memory_space<vmem>>, vector<16xi32>,
    %get3A_129 = vector.shape_cast %get3A_128 : vector<16xi32> to vector<16xi32>
    %add3A_130 = vector.broadcast %mul3A_2 : i32 to vector<16xi32>
    %add3A_131 = arith.addi %add3A_130, %add3A_123 : vector<16xi32>
    %shift_right_logical3A_132 = arith.constant 9 : i32
    %shift_right_logical3A_133 = vector.broadcast %shift_right_logical3A_132 : i32 to vector<16xi32>
    %shift_right_logical3A_134 = arith.shrui %add3A_131, %shift_right_logical3A_133 : vector<16xi32>
    %mul3A_135 = arith.constant 4096 : i32
    %mul3A_136 = vector.broadcast %mul3A_135 : i32 to vector<16xi32>
    %mul3A_137 = arith.muli %shift_right_logical3A_134, %mul3A_136 : vector<16xi32>
    %add3A_138 = arith.addi %mul3A_137, %get3A_126 : vector<16xi32>
    %swap3A_139 = arith.constant 96 : index
    %swap3A_140 = tpu.vector_load %arg9[%swap3A_139] {strides = array<i32>} : memref<128xi32, #tpu.memory_space<vmem>>, vector<16xi32>,
    %swap3A_141 = vector.shape_cast %swap3A_140 : vector<16xi32> to vector<16xi32>
    %swap3A_142 = vector.shape_cast %add3A_138 : vector<16xi32> to vector<16xi32>
    tpu.vector_store %arg9[%swap3A_139], %swap3A_142 {strides = array<i32>} : memref<128xi32, #tpu.memory_space<vmem>>, vector<16xi32>,
    %add3A_143 = arith.addi %mul3A_137, %get3A_129 : vector<16xi32>
    %swap3A_144 = arith.constant 112 : index
    %swap3A_145 = tpu.vector_load %arg9[%swap3A_144] {strides = array<i32>} : memref<128xi32, #tpu.memory_space<vmem>>, vector<16xi32>,
    %swap3A_146 = vector.shape_cast %swap3A_145 : vector<16xi32> to vector<16xi32>
    %swap3A_147 = vector.shape_cast %add3A_143 : vector<16xi32> to vector<16xi32>
    tpu.vector_store %arg9[%swap3A_144], %swap3A_147 {strides = array<i32>} : memref<128xi32, #tpu.memory_space<vmem>>, vector<16xi32>,
    %sub3A_148 = arith.subi %get3A_129, %get3A_126 : vector<16xi32>
    %swap3A_149 = arith.constant 48 : index
    %swap3A_150 = tpu.vector_load %arg10[%swap3A_149] {strides = array<i32>} : memref<64xi32, #tpu.memory_space<vmem>>, vector<16xi32>,
    %swap3A_151 = vector.shape_cast %swap3A_150 : vector<16xi32> to vector<16xi32>
    %swap3A_152 = vector.shape_cast %sub3A_148 : vector<16xi32> to vector<16xi32>
    tpu.vector_store %arg10[%swap3A_149], %swap3A_152 {strides = array<i32>} : memref<64xi32, #tpu.memory_space<vmem>>, vector<16xi32>,
    %dma_start3A_153 = arith.constant 0 : i32
    %dma_start3A_154 = arith.constant 0 : i32
    %dma_start3A_155 = tpu.memref_slice %arg5[%dma_start3A_153, %dma_start3A_154] : memref<4096x128xf32, #tpu.memory_space<hbm>> -> memref<4096x128xf32, #tpu.memory_space<hbm>>
    tpu.enqueue_indirect_dma source(%dma_start3A_155 : memref<4096x128xf32, #tpu.memory_space<hbm>>) target(%arg12 : memref<64x128xf32, #tpu.memory_space<vmem>>) offsets(%arg10 : memref<64xi32, #tpu.memory_space<vmem>>) semaphore(%arg15 : memref<!tpu.dma_semaphore, #tpu.memory_space<semaphore_mem>>)
    %dma_wait3A_156 = arith.constant 0 : i32
    %dma_wait3A_157 = arith.constant 0 : i32
    %dma_wait3A_158 = tpu.memref_slice %arg5[%dma_wait3A_156, %dma_wait3A_157] : memref<4096x128xf32, #tpu.memory_space<hbm>> -> memref<4096x128xf32, #tpu.memory_space<hbm>>
    tpu.wait_indirect_dma semaphore(%arg15 : memref<!tpu.dma_semaphore, #tpu.memory_space<semaphore_mem>>) src(%dma_wait3A_158 : memref<4096x128xf32, #tpu.memory_space<hbm>>) dst(%arg12 : memref<64x128xf32, #tpu.memory_space<vmem>>)
    %dma_start3A_159 = arith.constant 2048 : i32
    %dma_start3A_160 = tpu.memref_slice %arg6[%mul3A_2, %dma_start3A_159] : memref<2048x2176xf32, #tpu.memory_space<hbm>> -> memref<64x128xf32, #tpu.memory_space<hbm>>
    %dma_start3A_161 = arith.constant 2048 : i32
    %dma_start3A_162 = tpu.memref_slice %arg6[%mul3A_2, %dma_start3A_161] : memref<2048x2176xf32, #tpu.memory_space<hbm>> -> memref<64x128xf32, #tpu.memory_space<hbm>>
    tpu.enqueue_dma source(%arg12 : memref<64x128xf32, #tpu.memory_space<vmem>>) target(%dma_start3A_162 : memref<64x128xf32, #tpu.memory_space<hbm>>) target_semaphore(%arg15 : memref<!tpu.dma_semaphore, #tpu.memory_space<semaphore_mem>>)
    %dma_wait3A_163 = arith.constant 0 : i32
    %dma_wait3A_164 = arith.constant 0 : i32
    %dma_wait3A_165 = arith.constant 0 : i32
    %dma_wait3A_166 = tpu.memref_slice %arg11[%dma_wait3A_163, %dma_wait3A_164, %dma_wait3A_165] : memref<3x32x1024xf32, #tpu.memory_space<vmem>> -> memref<1x32x1024xf32, #tpu.memory_space<vmem>>
    %dma_wait3A_167 = tpu.memref_squeeze %dma_wait3A_166 : memref<1x32x1024xf32, #tpu.memory_space<vmem>> -> memref<32x1024xf32, #tpu.memory_space<vmem>>
    %dma_wait3A_168 = arith.constant 0 : i32
    %dma_wait3A_169 = tpu.memref_slice %arg9[%dma_wait3A_168] : memref<128xi32, #tpu.memory_space<vmem>> -> memref<32xi32, #tpu.memory_space<vmem>>
    %dma_wait3A_170 = arith.constant 0 : i32
    %dma_wait3A_171 = arith.constant 0 : i32
    %dma_wait3A_172 = tpu.memref_slice %arg2[%dma_wait3A_170, %dma_wait3A_171] : memref<16384x1024xf32, #tpu.memory_space<hbm>> -> memref<16384x1024xf32, #tpu.memory_space<hbm>>
    tpu.wait_indirect_dma semaphore(%arg13 : memref<!tpu.dma_semaphore, #tpu.memory_space<semaphore_mem>>) src(%dma_wait3A_172 : memref<16384x1024xf32, #tpu.memory_space<hbm>>) dst(%dma_wait3A_167 : memref<32x1024xf32, #tpu.memory_space<vmem>>)
    %add3A_173 = arith.constant 0 : i32
    %add3A_174 = arith.addi %mul3A_2, %add3A_173 : i32
    %dma_start3A_175 = arith.constant 0 : i32
    %dma_start3A_176 = arith.constant 0 : i32
    %dma_start3A_177 = arith.constant 0 : i32
    %dma_start3A_178 = tpu.memref_slice %arg11[%dma_start3A_175, %dma_start3A_176, %dma_start3A_177] : memref<3x32x1024xf32, #tpu.memory_space<vmem>> -> memref<1x16x1024xf32, #tpu.memory_space<vmem>>
    %dma_start3A_179 = tpu.memref_squeeze %dma_start3A_178 : memref<1x16x1024xf32, #tpu.memory_space<vmem>> -> memref<16x1024xf32, #tpu.memory_space<vmem>>
    %dma_start3A_180 = arith.constant 0 : i32
    %dma_start3A_181 = tpu.memref_slice %arg6[%add3A_174, %dma_start3A_180] : memref<2048x2176xf32, #tpu.memory_space<hbm>> -> memref<16x1024xf32, #tpu.memory_space<hbm>>
    %dma_start3A_182 = arith.constant 0 : i32
    %dma_start3A_183 = tpu.memref_slice %arg6[%add3A_174, %dma_start3A_182] : memref<2048x2176xf32, #tpu.memory_space<hbm>> -> memref<16x1024xf32, #tpu.memory_space<hbm>>
    %dma_start3A_184 = arith.constant 0 : i32
    %dma_start3A_185 = arith.constant 0 : i32
    %dma_start3A_186 = tpu.memref_slice %arg11[%dma_start3A_175, %dma_start3A_184, %dma_start3A_185] : memref<3x32x1024xf32, #tpu.memory_space<vmem>> -> memref<1x16x1024xf32, #tpu.memory_space<vmem>>
    %dma_start3A_187 = tpu.memref_squeeze %dma_start3A_186 : memref<1x16x1024xf32, #tpu.memory_space<vmem>> -> memref<16x1024xf32, #tpu.memory_space<vmem>>
    tpu.enqueue_dma source(%dma_start3A_187 : memref<16x1024xf32, #tpu.memory_space<vmem>>) target(%dma_start3A_183 : memref<16x1024xf32, #tpu.memory_space<hbm>>) target_semaphore(%arg14 : memref<!tpu.dma_semaphore, #tpu.memory_space<semaphore_mem>>)
    %dma_start3A_188 = arith.constant 0 : i32
    %dma_start3A_189 = arith.constant 16 : i32
    %dma_start3A_190 = arith.constant 0 : i32
    %dma_start3A_191 = tpu.memref_slice %arg11[%dma_start3A_188, %dma_start3A_189, %dma_start3A_190] : memref<3x32x1024xf32, #tpu.memory_space<vmem>> -> memref<1x16x1024xf32, #tpu.memory_space<vmem>>
    %dma_start3A_192 = tpu.memref_squeeze %dma_start3A_191 : memref<1x16x1024xf32, #tpu.memory_space<vmem>> -> memref<16x1024xf32, #tpu.memory_space<vmem>>
    %dma_start3A_193 = arith.constant 1024 : i32
    %dma_start3A_194 = tpu.memref_slice %arg6[%add3A_174, %dma_start3A_193] : memref<2048x2176xf32, #tpu.memory_space<hbm>> -> memref<16x1024xf32, #tpu.memory_space<hbm>>
    %dma_start3A_195 = arith.constant 1024 : i32
    %dma_start3A_196 = tpu.memref_slice %arg6[%add3A_174, %dma_start3A_195] : memref<2048x2176xf32, #tpu.memory_space<hbm>> -> memref<16x1024xf32, #tpu.memory_space<hbm>>
    %dma_start3A_197 = arith.constant 16 : i32
    %dma_start3A_198 = arith.constant 0 : i32
    %dma_start3A_199 = tpu.memref_slice %arg11[%dma_start3A_188, %dma_start3A_197, %dma_start3A_198] : memref<3x32x1024xf32, #tpu.memory_space<vmem>> -> memref<1x16x1024xf32, #tpu.memory_space<vmem>>
    %dma_start3A_200 = tpu.memref_squeeze %dma_start3A_199 : memref<1x16x1024xf32, #tpu.memory_space<vmem>> -> memref<16x1024xf32, #tpu.memory_space<vmem>>
    tpu.enqueue_dma source(%dma_start3A_200 : memref<16x1024xf32, #tpu.memory_space<vmem>>) target(%dma_start3A_196 : memref<16x1024xf32, #tpu.memory_space<hbm>>) target_semaphore(%arg14 : memref<!tpu.dma_semaphore, #tpu.memory_space<semaphore_mem>>)
    %dma_start3A_201 = arith.constant 2 : i32
    %dma_start3A_202 = arith.constant 0 : i32
    %dma_start3A_203 = arith.constant 0 : i32
    %dma_start3A_204 = tpu.memref_slice %arg11[%dma_start3A_201, %dma_start3A_202, %dma_start3A_203] : memref<3x32x1024xf32, #tpu.memory_space<vmem>> -> memref<1x32x1024xf32, #tpu.memory_space<vmem>>
    %dma_start3A_205 = tpu.memref_squeeze %dma_start3A_204 : memref<1x32x1024xf32, #tpu.memory_space<vmem>> -> memref<32x1024xf32, #tpu.memory_space<vmem>>
    %dma_start3A_206 = arith.constant 64 : i32
    %dma_start3A_207 = tpu.memref_slice %arg9[%dma_start3A_206] : memref<128xi32, #tpu.memory_space<vmem>> -> memref<32xi32, #tpu.memory_space<vmem>>
    %dma_start3A_208 = arith.constant 0 : i32
    %dma_start3A_209 = arith.constant 0 : i32
    %dma_start3A_210 = tpu.memref_slice %arg2[%dma_start3A_208, %dma_start3A_209] : memref<16384x1024xf32, #tpu.memory_space<hbm>> -> memref<16384x1024xf32, #tpu.memory_space<hbm>>
    tpu.enqueue_indirect_dma source(%dma_start3A_210 : memref<16384x1024xf32, #tpu.memory_space<hbm>>) target(%dma_start3A_205 : memref<32x1024xf32, #tpu.memory_space<vmem>>) offsets(%dma_start3A_207 : memref<32xi32, #tpu.memory_space<vmem>>) semaphore(%arg13 : memref<!tpu.dma_semaphore, #tpu.memory_space<semaphore_mem>>)
    %dma_wait3A_211 = arith.constant 1 : i32
    %dma_wait3A_212 = arith.constant 0 : i32
    %dma_wait3A_213 = arith.constant 0 : i32
    %dma_wait3A_214 = tpu.memref_slice %arg11[%dma_wait3A_211, %dma_wait3A_212, %dma_wait3A_213] : memref<3x32x1024xf32, #tpu.memory_space<vmem>> -> memref<1x32x1024xf32, #tpu.memory_space<vmem>>
    %dma_wait3A_215 = tpu.memref_squeeze %dma_wait3A_214 : memref<1x32x1024xf32, #tpu.memory_space<vmem>> -> memref<32x1024xf32, #tpu.memory_space<vmem>>
    %dma_wait3A_216 = arith.constant 32 : i32
    %dma_wait3A_217 = tpu.memref_slice %arg9[%dma_wait3A_216] : memref<128xi32, #tpu.memory_space<vmem>> -> memref<32xi32, #tpu.memory_space<vmem>>
    %dma_wait3A_218 = arith.constant 0 : i32
    %dma_wait3A_219 = arith.constant 0 : i32
    %dma_wait3A_220 = tpu.memref_slice %arg2[%dma_wait3A_218, %dma_wait3A_219] : memref<16384x1024xf32, #tpu.memory_space<hbm>> -> memref<16384x1024xf32, #tpu.memory_space<hbm>>
    tpu.wait_indirect_dma semaphore(%arg13 : memref<!tpu.dma_semaphore, #tpu.memory_space<semaphore_mem>>) src(%dma_wait3A_220 : memref<16384x1024xf32, #tpu.memory_space<hbm>>) dst(%dma_wait3A_215 : memref<32x1024xf32, #tpu.memory_space<vmem>>)
    %add3A_221 = arith.constant 16 : i32
    %add3A_222 = arith.addi %mul3A_2, %add3A_221 : i32
    %dma_start3A_223 = arith.constant 1 : i32
    %dma_start3A_224 = arith.constant 0 : i32
    %dma_start3A_225 = arith.constant 0 : i32
    %dma_start3A_226 = tpu.memref_slice %arg11[%dma_start3A_223, %dma_start3A_224, %dma_start3A_225] : memref<3x32x1024xf32, #tpu.memory_space<vmem>> -> memref<1x16x1024xf32, #tpu.memory_space<vmem>>
    %dma_start3A_227 = tpu.memref_squeeze %dma_start3A_226 : memref<1x16x1024xf32, #tpu.memory_space<vmem>> -> memref<16x1024xf32, #tpu.memory_space<vmem>>
    %dma_start3A_228 = arith.constant 0 : i32
    %dma_start3A_229 = tpu.memref_slice %arg6[%add3A_222, %dma_start3A_228] : memref<2048x2176xf32, #tpu.memory_space<hbm>> -> memref<16x1024xf32, #tpu.memory_space<hbm>>
    %dma_start3A_230 = arith.constant 0 : i32
    %dma_start3A_231 = tpu.memref_slice %arg6[%add3A_222, %dma_start3A_230] : memref<2048x2176xf32, #tpu.memory_space<hbm>> -> memref<16x1024xf32, #tpu.memory_space<hbm>>
    %dma_start3A_232 = arith.constant 0 : i32
    %dma_start3A_233 = arith.constant 0 : i32
    %dma_start3A_234 = tpu.memref_slice %arg11[%dma_start3A_223, %dma_start3A_232, %dma_start3A_233] : memref<3x32x1024xf32, #tpu.memory_space<vmem>> -> memref<1x16x1024xf32, #tpu.memory_space<vmem>>
    %dma_start3A_235 = tpu.memref_squeeze %dma_start3A_234 : memref<1x16x1024xf32, #tpu.memory_space<vmem>> -> memref<16x1024xf32, #tpu.memory_space<vmem>>
    tpu.enqueue_dma source(%dma_start3A_235 : memref<16x1024xf32, #tpu.memory_space<vmem>>) target(%dma_start3A_231 : memref<16x1024xf32, #tpu.memory_space<hbm>>) target_semaphore(%arg14 : memref<!tpu.dma_semaphore, #tpu.memory_space<semaphore_mem>>)
    %dma_start3A_236 = arith.constant 1 : i32
    %dma_start3A_237 = arith.constant 16 : i32
    %dma_start3A_238 = arith.constant 0 : i32
    %dma_start3A_239 = tpu.memref_slice %arg11[%dma_start3A_236, %dma_start3A_237, %dma_start3A_238] : memref<3x32x1024xf32, #tpu.memory_space<vmem>> -> memref<1x16x1024xf32, #tpu.memory_space<vmem>>
    %dma_start3A_240 = tpu.memref_squeeze %dma_start3A_239 : memref<1x16x1024xf32, #tpu.memory_space<vmem>> -> memref<16x1024xf32, #tpu.memory_space<vmem>>
    %dma_start3A_241 = arith.constant 1024 : i32
    %dma_start3A_242 = tpu.memref_slice %arg6[%add3A_222, %dma_start3A_241] : memref<2048x2176xf32, #tpu.memory_space<hbm>> -> memref<16x1024xf32, #tpu.memory_space<hbm>>
    %dma_start3A_243 = arith.constant 1024 : i32
    %dma_start3A_244 = tpu.memref_slice %arg6[%add3A_222, %dma_start3A_243] : memref<2048x2176xf32, #tpu.memory_space<hbm>> -> memref<16x1024xf32, #tpu.memory_space<hbm>>
    %dma_start3A_245 = arith.constant 16 : i32
    %dma_start3A_246 = arith.constant 0 : i32
    %dma_start3A_247 = tpu.memref_slice %arg11[%dma_start3A_236, %dma_start3A_245, %dma_start3A_246] : memref<3x32x1024xf32, #tpu.memory_space<vmem>> -> memref<1x16x1024xf32, #tpu.memory_space<vmem>>
    %dma_start3A_248 = tpu.memref_squeeze %dma_start3A_247 : memref<1x16x1024xf32, #tpu.memory_space<vmem>> -> memref<16x1024xf32, #tpu.memory_space<vmem>>
    tpu.enqueue_dma source(%dma_start3A_248 : memref<16x1024xf32, #tpu.memory_space<vmem>>) target(%dma_start3A_244 : memref<16x1024xf32, #tpu.memory_space<hbm>>) target_semaphore(%arg14 : memref<!tpu.dma_semaphore, #tpu.memory_space<semaphore_mem>>)
    %dma_wait3A_249 = arith.constant 0 : i32
    %dma_wait3A_250 = arith.constant 0 : i32
    %dma_wait3A_251 = arith.constant 0 : i32
    %dma_wait3A_252 = tpu.memref_slice %arg11[%dma_wait3A_249, %dma_wait3A_250, %dma_wait3A_251] : memref<3x32x1024xf32, #tpu.memory_space<vmem>> -> memref<1x16x1024xf32, #tpu.memory_space<vmem>>
    %dma_wait3A_253 = tpu.memref_squeeze %dma_wait3A_252 : memref<1x16x1024xf32, #tpu.memory_space<vmem>> -> memref<16x1024xf32, #tpu.memory_space<vmem>>
    %dma_wait3A_254 = arith.constant 0 : i32
    %dma_wait3A_255 = tpu.memref_slice %arg6[%add3A_174, %dma_wait3A_254] : memref<2048x2176xf32, #tpu.memory_space<hbm>> -> memref<16x1024xf32, #tpu.memory_space<hbm>>
    %dma_wait3A_256 = arith.constant 0 : i32
    %dma_wait3A_257 = tpu.memref_slice %arg6[%add3A_174, %dma_wait3A_256] : memref<2048x2176xf32, #tpu.memory_space<hbm>> -> memref<16x1024xf32, #tpu.memory_space<hbm>>
    %dma_wait3A_258 = arith.constant 0 : i32
    %dma_wait3A_259 = arith.constant 0 : i32
    %dma_wait3A_260 = tpu.memref_slice %arg11[%dma_wait3A_249, %dma_wait3A_258, %dma_wait3A_259] : memref<3x32x1024xf32, #tpu.memory_space<vmem>> -> memref<1x16x1024xf32, #tpu.memory_space<vmem>>
    %dma_wait3A_261 = tpu.memref_squeeze %dma_wait3A_260 : memref<1x16x1024xf32, #tpu.memory_space<vmem>> -> memref<16x1024xf32, #tpu.memory_space<vmem>>
    tpu.wait_dma2 semaphore(%arg14 : memref<!tpu.dma_semaphore, #tpu.memory_space<semaphore_mem>>) src(%dma_wait3A_261 : memref<16x1024xf32, #tpu.memory_space<vmem>>) dst(%dma_wait3A_257 : memref<16x1024xf32, #tpu.memory_space<hbm>>)
    %dma_wait3A_262 = arith.constant 0 : i32
    %dma_wait3A_263 = arith.constant 16 : i32
    %dma_wait3A_264 = arith.constant 0 : i32
    %dma_wait3A_265 = tpu.memref_slice %arg11[%dma_wait3A_262, %dma_wait3A_263, %dma_wait3A_264] : memref<3x32x1024xf32, #tpu.memory_space<vmem>> -> memref<1x16x1024xf32, #tpu.memory_space<vmem>>
    %dma_wait3A_266 = tpu.memref_squeeze %dma_wait3A_265 : memref<1x16x1024xf32, #tpu.memory_space<vmem>> -> memref<16x1024xf32, #tpu.memory_space<vmem>>
    %dma_wait3A_267 = arith.constant 1024 : i32
    %dma_wait3A_268 = tpu.memref_slice %arg6[%add3A_174, %dma_wait3A_267] : memref<2048x2176xf32, #tpu.memory_space<hbm>> -> memref<16x1024xf32, #tpu.memory_space<hbm>>
    %dma_wait3A_269 = arith.constant 1024 : i32
    %dma_wait3A_270 = tpu.memref_slice %arg6[%add3A_174, %dma_wait3A_269] : memref<2048x2176xf32, #tpu.memory_space<hbm>> -> memref<16x1024xf32, #tpu.memory_space<hbm>>
    %dma_wait3A_271 = arith.constant 16 : i32
    %dma_wait3A_272 = arith.constant 0 : i32
    %dma_wait3A_273 = tpu.memref_slice %arg11[%dma_wait3A_262, %dma_wait3A_271, %dma_wait3A_272] : memref<3x32x1024xf32, #tpu.memory_space<vmem>> -> memref<1x16x1024xf32, #tpu.memory_space<vmem>>
    %dma_wait3A_274 = tpu.memref_squeeze %dma_wait3A_273 : memref<1x16x1024xf32, #tpu.memory_space<vmem>> -> memref<16x1024xf32, #tpu.memory_space<vmem>>
    tpu.wait_dma2 semaphore(%arg14 : memref<!tpu.dma_semaphore, #tpu.memory_space<semaphore_mem>>) src(%dma_wait3A_274 : memref<16x1024xf32, #tpu.memory_space<vmem>>) dst(%dma_wait3A_270 : memref<16x1024xf32, #tpu.memory_space<hbm>>)
    %dma_start3A_275 = arith.constant 0 : i32
    %dma_start3A_276 = arith.constant 0 : i32
    %dma_start3A_277 = arith.constant 0 : i32
    %dma_start3A_278 = tpu.memref_slice %arg11[%dma_start3A_275, %dma_start3A_276, %dma_start3A_277] : memref<3x32x1024xf32, #tpu.memory_space<vmem>> -> memref<1x32x1024xf32, #tpu.memory_space<vmem>>
    %dma_start3A_279 = tpu.memref_squeeze %dma_start3A_278 : memref<1x32x1024xf32, #tpu.memory_space<vmem>> -> memref<32x1024xf32, #tpu.memory_space<vmem>>
    %dma_start3A_280 = arith.constant 96 : i32
    %dma_start3A_281 = tpu.memref_slice %arg9[%dma_start3A_280] : memref<128xi32, #tpu.memory_space<vmem>> -> memref<32xi32, #tpu.memory_space<vmem>>
    %dma_start3A_282 = arith.constant 0 : i32
    %dma_start3A_283 = arith.constant 0 : i32
    %dma_start3A_284 = tpu.memref_slice %arg2[%dma_start3A_282, %dma_start3A_283] : memref<16384x1024xf32, #tpu.memory_space<hbm>> -> memref<16384x1024xf32, #tpu.memory_space<hbm>>
    tpu.enqueue_indirect_dma source(%dma_start3A_284 : memref<16384x1024xf32, #tpu.memory_space<hbm>>) target(%dma_start3A_279 : memref<32x1024xf32, #tpu.memory_space<vmem>>) offsets(%dma_start3A_281 : memref<32xi32, #tpu.memory_space<vmem>>) semaphore(%arg13 : memref<!tpu.dma_semaphore, #tpu.memory_space<semaphore_mem>>)
    %dma_wait3A_285 = arith.constant 2 : i32
    %dma_wait3A_286 = arith.constant 0 : i32
    %dma_wait3A_287 = arith.constant 0 : i32
    %dma_wait3A_288 = tpu.memref_slice %arg11[%dma_wait3A_285, %dma_wait3A_286, %dma_wait3A_287] : memref<3x32x1024xf32, #tpu.memory_space<vmem>> -> memref<1x32x1024xf32, #tpu.memory_space<vmem>>
    %dma_wait3A_289 = tpu.memref_squeeze %dma_wait3A_288 : memref<1x32x1024xf32, #tpu.memory_space<vmem>> -> memref<32x1024xf32, #tpu.memory_space<vmem>>
    %dma_wait3A_290 = arith.constant 64 : i32
    %dma_wait3A_291 = tpu.memref_slice %arg9[%dma_wait3A_290] : memref<128xi32, #tpu.memory_space<vmem>> -> memref<32xi32, #tpu.memory_space<vmem>>
    %dma_wait3A_292 = arith.constant 0 : i32
    %dma_wait3A_293 = arith.constant 0 : i32
    %dma_wait3A_294 = tpu.memref_slice %arg2[%dma_wait3A_292, %dma_wait3A_293] : memref<16384x1024xf32, #tpu.memory_space<hbm>> -> memref<16384x1024xf32, #tpu.memory_space<hbm>>
    tpu.wait_indirect_dma semaphore(%arg13 : memref<!tpu.dma_semaphore, #tpu.memory_space<semaphore_mem>>) src(%dma_wait3A_294 : memref<16384x1024xf32, #tpu.memory_space<hbm>>) dst(%dma_wait3A_289 : memref<32x1024xf32, #tpu.memory_space<vmem>>)
    %add3A_295 = arith.constant 32 : i32
    %add3A_296 = arith.addi %mul3A_2, %add3A_295 : i32
    %dma_start3A_297 = arith.constant 2 : i32
    %dma_start3A_298 = arith.constant 0 : i32
    %dma_start3A_299 = arith.constant 0 : i32
    %dma_start3A_300 = tpu.memref_slice %arg11[%dma_start3A_297, %dma_start3A_298, %dma_start3A_299] : memref<3x32x1024xf32, #tpu.memory_space<vmem>> -> memref<1x16x1024xf32, #tpu.memory_space<vmem>>
    %dma_start3A_301 = tpu.memref_squeeze %dma_start3A_300 : memref<1x16x1024xf32, #tpu.memory_space<vmem>> -> memref<16x1024xf32, #tpu.memory_space<vmem>>
    %dma_start3A_302 = arith.constant 0 : i32
    %dma_start3A_303 = tpu.memref_slice %arg6[%add3A_296, %dma_start3A_302] : memref<2048x2176xf32, #tpu.memory_space<hbm>> -> memref<16x1024xf32, #tpu.memory_space<hbm>>
    %dma_start3A_304 = arith.constant 0 : i32
    %dma_start3A_305 = tpu.memref_slice %arg6[%add3A_296, %dma_start3A_304] : memref<2048x2176xf32, #tpu.memory_space<hbm>> -> memref<16x1024xf32, #tpu.memory_space<hbm>>
    %dma_start3A_306 = arith.constant 0 : i32
    %dma_start3A_307 = arith.constant 0 : i32
    %dma_start3A_308 = tpu.memref_slice %arg11[%dma_start3A_297, %dma_start3A_306, %dma_start3A_307] : memref<3x32x1024xf32, #tpu.memory_space<vmem>> -> memref<1x16x1024xf32, #tpu.memory_space<vmem>>
    %dma_start3A_309 = tpu.memref_squeeze %dma_start3A_308 : memref<1x16x1024xf32, #tpu.memory_space<vmem>> -> memref<16x1024xf32, #tpu.memory_space<vmem>>
    tpu.enqueue_dma source(%dma_start3A_309 : memref<16x1024xf32, #tpu.memory_space<vmem>>) target(%dma_start3A_305 : memref<16x1024xf32, #tpu.memory_space<hbm>>) target_semaphore(%arg14 : memref<!tpu.dma_semaphore, #tpu.memory_space<semaphore_mem>>)
    %dma_start3A_310 = arith.constant 2 : i32
    %dma_start3A_311 = arith.constant 16 : i32
    %dma_start3A_312 = arith.constant 0 : i32
    %dma_start3A_313 = tpu.memref_slice %arg11[%dma_start3A_310, %dma_start3A_311, %dma_start3A_312] : memref<3x32x1024xf32, #tpu.memory_space<vmem>> -> memref<1x16x1024xf32, #tpu.memory_space<vmem>>
    %dma_start3A_314 = tpu.memref_squeeze %dma_start3A_313 : memref<1x16x1024xf32, #tpu.memory_space<vmem>> -> memref<16x1024xf32, #tpu.memory_space<vmem>>
    %dma_start3A_315 = arith.constant 1024 : i32
    %dma_start3A_316 = tpu.memref_slice %arg6[%add3A_296, %dma_start3A_315] : memref<2048x2176xf32, #tpu.memory_space<hbm>> -> memref<16x1024xf32, #tpu.memory_space<hbm>>
    %dma_start3A_317 = arith.constant 1024 : i32
    %dma_start3A_318 = tpu.memref_slice %arg6[%add3A_296, %dma_start3A_317] : memref<2048x2176xf32, #tpu.memory_space<hbm>> -> memref<16x1024xf32, #tpu.memory_space<hbm>>
    %dma_start3A_319 = arith.constant 16 : i32
    %dma_start3A_320 = arith.constant 0 : i32
    %dma_start3A_321 = tpu.memref_slice %arg11[%dma_start3A_310, %dma_start3A_319, %dma_start3A_320] : memref<3x32x1024xf32, #tpu.memory_space<vmem>> -> memref<1x16x1024xf32, #tpu.memory_space<vmem>>
    %dma_start3A_322 = tpu.memref_squeeze %dma_start3A_321 : memref<1x16x1024xf32, #tpu.memory_space<vmem>> -> memref<16x1024xf32, #tpu.memory_space<vmem>>
    tpu.enqueue_dma source(%dma_start3A_322 : memref<16x1024xf32, #tpu.memory_space<vmem>>) target(%dma_start3A_318 : memref<16x1024xf32, #tpu.memory_space<hbm>>) target_semaphore(%arg14 : memref<!tpu.dma_semaphore, #tpu.memory_space<semaphore_mem>>)
    %dma_wait3A_323 = arith.constant 0 : i32
    %dma_wait3A_324 = arith.constant 0 : i32
    %dma_wait3A_325 = arith.constant 0 : i32
    %dma_wait3A_326 = tpu.memref_slice %arg11[%dma_wait3A_323, %dma_wait3A_324, %dma_wait3A_325] : memref<3x32x1024xf32, #tpu.memory_space<vmem>> -> memref<1x32x1024xf32, #tpu.memory_space<vmem>>
    %dma_wait3A_327 = tpu.memref_squeeze %dma_wait3A_326 : memref<1x32x1024xf32, #tpu.memory_space<vmem>> -> memref<32x1024xf32, #tpu.memory_space<vmem>>
    %dma_wait3A_328 = arith.constant 96 : i32
    %dma_wait3A_329 = tpu.memref_slice %arg9[%dma_wait3A_328] : memref<128xi32, #tpu.memory_space<vmem>> -> memref<32xi32, #tpu.memory_space<vmem>>
    %dma_wait3A_330 = arith.constant 0 : i32
    %dma_wait3A_331 = arith.constant 0 : i32
    %dma_wait3A_332 = tpu.memref_slice %arg2[%dma_wait3A_330, %dma_wait3A_331] : memref<16384x1024xf32, #tpu.memory_space<hbm>> -> memref<16384x1024xf32, #tpu.memory_space<hbm>>
    tpu.wait_indirect_dma semaphore(%arg13 : memref<!tpu.dma_semaphore, #tpu.memory_space<semaphore_mem>>) src(%dma_wait3A_332 : memref<16384x1024xf32, #tpu.memory_space<hbm>>) dst(%dma_wait3A_327 : memref<32x1024xf32, #tpu.memory_space<vmem>>)
    %add3A_333 = arith.constant 48 : i32
    %add3A_334 = arith.addi %mul3A_2, %add3A_333 : i32
    %dma_start3A_335 = arith.constant 0 : i32
    %dma_start3A_336 = arith.constant 0 : i32
    %dma_start3A_337 = arith.constant 0 : i32
    %dma_start3A_338 = tpu.memref_slice %arg11[%dma_start3A_335, %dma_start3A_336, %dma_start3A_337] : memref<3x32x1024xf32, #tpu.memory_space<vmem>> -> memref<1x16x1024xf32, #tpu.memory_space<vmem>>
    %dma_start3A_339 = tpu.memref_squeeze %dma_start3A_338 : memref<1x16x1024xf32, #tpu.memory_space<vmem>> -> memref<16x1024xf32, #tpu.memory_space<vmem>>
    %dma_start3A_340 = arith.constant 0 : i32
    %dma_start3A_341 = tpu.memref_slice %arg6[%add3A_334, %dma_start3A_340] : memref<2048x2176xf32, #tpu.memory_space<hbm>> -> memref<16x1024xf32, #tpu.memory_space<hbm>>
    %dma_start3A_342 = arith.constant 0 : i32
    %dma_start3A_343 = tpu.memref_slice %arg6[%add3A_334, %dma_start3A_342] : memref<2048x2176xf32, #tpu.memory_space<hbm>> -> memref<16x1024xf32, #tpu.memory_space<hbm>>
    %dma_start3A_344 = arith.constant 0 : i32
    %dma_start3A_345 = arith.constant 0 : i32
    %dma_start3A_346 = tpu.memref_slice %arg11[%dma_start3A_335, %dma_start3A_344, %dma_start3A_345] : memref<3x32x1024xf32, #tpu.memory_space<vmem>> -> memref<1x16x1024xf32, #tpu.memory_space<vmem>>
    %dma_start3A_347 = tpu.memref_squeeze %dma_start3A_346 : memref<1x16x1024xf32, #tpu.memory_space<vmem>> -> memref<16x1024xf32, #tpu.memory_space<vmem>>
    tpu.enqueue_dma source(%dma_start3A_347 : memref<16x1024xf32, #tpu.memory_space<vmem>>) target(%dma_start3A_343 : memref<16x1024xf32, #tpu.memory_space<hbm>>) target_semaphore(%arg14 : memref<!tpu.dma_semaphore, #tpu.memory_space<semaphore_mem>>)
    %dma_start3A_348 = arith.constant 0 : i32
    %dma_start3A_349 = arith.constant 16 : i32
    %dma_start3A_350 = arith.constant 0 : i32
    %dma_start3A_351 = tpu.memref_slice %arg11[%dma_start3A_348, %dma_start3A_349, %dma_start3A_350] : memref<3x32x1024xf32, #tpu.memory_space<vmem>> -> memref<1x16x1024xf32, #tpu.memory_space<vmem>>
    %dma_start3A_352 = tpu.memref_squeeze %dma_start3A_351 : memref<1x16x1024xf32, #tpu.memory_space<vmem>> -> memref<16x1024xf32, #tpu.memory_space<vmem>>
    %dma_start3A_353 = arith.constant 1024 : i32
    %dma_start3A_354 = tpu.memref_slice %arg6[%add3A_334, %dma_start3A_353] : memref<2048x2176xf32, #tpu.memory_space<hbm>> -> memref<16x1024xf32, #tpu.memory_space<hbm>>
    %dma_start3A_355 = arith.constant 1024 : i32
    %dma_start3A_356 = tpu.memref_slice %arg6[%add3A_334, %dma_start3A_355] : memref<2048x2176xf32, #tpu.memory_space<hbm>> -> memref<16x1024xf32, #tpu.memory_space<hbm>>
    %dma_start3A_357 = arith.constant 16 : i32
    %dma_start3A_358 = arith.constant 0 : i32
    %dma_start3A_359 = tpu.memref_slice %arg11[%dma_start3A_348, %dma_start3A_357, %dma_start3A_358] : memref<3x32x1024xf32, #tpu.memory_space<vmem>> -> memref<1x16x1024xf32, #tpu.memory_space<vmem>>
    %dma_start3A_360 = tpu.memref_squeeze %dma_start3A_359 : memref<1x16x1024xf32, #tpu.memory_space<vmem>> -> memref<16x1024xf32, #tpu.memory_space<vmem>>
    tpu.enqueue_dma source(%dma_start3A_360 : memref<16x1024xf32, #tpu.memory_space<vmem>>) target(%dma_start3A_356 : memref<16x1024xf32, #tpu.memory_space<hbm>>) target_semaphore(%arg14 : memref<!tpu.dma_semaphore, #tpu.memory_space<semaphore_mem>>)
    %dma_wait3A_361 = arith.constant 1 : i32
    %dma_wait3A_362 = arith.constant 0 : i32
    %dma_wait3A_363 = arith.constant 0 : i32
    %dma_wait3A_364 = tpu.memref_slice %arg11[%dma_wait3A_361, %dma_wait3A_362, %dma_wait3A_363] : memref<3x32x1024xf32, #tpu.memory_space<vmem>> -> memref<1x16x1024xf32, #tpu.memory_space<vmem>>
    %dma_wait3A_365 = tpu.memref_squeeze %dma_wait3A_364 : memref<1x16x1024xf32, #tpu.memory_space<vmem>> -> memref<16x1024xf32, #tpu.memory_space<vmem>>
    %dma_wait3A_366 = arith.constant 0 : i32
    %dma_wait3A_367 = tpu.memref_slice %arg6[%add3A_222, %dma_wait3A_366] : memref<2048x2176xf32, #tpu.memory_space<hbm>> -> memref<16x1024xf32, #tpu.memory_space<hbm>>
    %dma_wait3A_368 = arith.constant 0 : i32
    %dma_wait3A_369 = tpu.memref_slice %arg6[%add3A_222, %dma_wait3A_368] : memref<2048x2176xf32, #tpu.memory_space<hbm>> -> memref<16x1024xf32, #tpu.memory_space<hbm>>
    %dma_wait3A_370 = arith.constant 0 : i32
    %dma_wait3A_371 = arith.constant 0 : i32
    %dma_wait3A_372 = tpu.memref_slice %arg11[%dma_wait3A_361, %dma_wait3A_370, %dma_wait3A_371] : memref<3x32x1024xf32, #tpu.memory_space<vmem>> -> memref<1x16x1024xf32, #tpu.memory_space<vmem>>
    %dma_wait3A_373 = tpu.memref_squeeze %dma_wait3A_372 : memref<1x16x1024xf32, #tpu.memory_space<vmem>> -> memref<16x1024xf32, #tpu.memory_space<vmem>>
    tpu.wait_dma2 semaphore(%arg14 : memref<!tpu.dma_semaphore, #tpu.memory_space<semaphore_mem>>) src(%dma_wait3A_373 : memref<16x1024xf32, #tpu.memory_space<vmem>>) dst(%dma_wait3A_369 : memref<16x1024xf32, #tpu.memory_space<hbm>>)
    %dma_wait3A_374 = arith.constant 1 : i32
    %dma_wait3A_375 = arith.constant 16 : i32
    %dma_wait3A_376 = arith.constant 0 : i32
    %dma_wait3A_377 = tpu.memref_slice %arg11[%dma_wait3A_374, %dma_wait3A_375, %dma_wait3A_376] : memref<3x32x1024xf32, #tpu.memory_space<vmem>> -> memref<1x16x1024xf32, #tpu.memory_space<vmem>>
    %dma_wait3A_378 = tpu.memref_squeeze %dma_wait3A_377 : memref<1x16x1024xf32, #tpu.memory_space<vmem>> -> memref<16x1024xf32, #tpu.memory_space<vmem>>
    %dma_wait3A_379 = arith.constant 1024 : i32
    %dma_wait3A_380 = tpu.memref_slice %arg6[%add3A_222, %dma_wait3A_379] : memref<2048x2176xf32, #tpu.memory_space<hbm>> -> memref<16x1024xf32, #tpu.memory_space<hbm>>
    %dma_wait3A_381 = arith.constant 1024 : i32
    %dma_wait3A_382 = tpu.memref_slice %arg6[%add3A_222, %dma_wait3A_381] : memref<2048x2176xf32, #tpu.memory_space<hbm>> -> memref<16x1024xf32, #tpu.memory_space<hbm>>
    %dma_wait3A_383 = arith.constant 16 : i32
    %dma_wait3A_384 = arith.constant 0 : i32
    %dma_wait3A_385 = tpu.memref_slice %arg11[%dma_wait3A_374, %dma_wait3A_383, %dma_wait3A_384] : memref<3x32x1024xf32, #tpu.memory_space<vmem>> -> memref<1x16x1024xf32, #tpu.memory_space<vmem>>
    %dma_wait3A_386 = tpu.memref_squeeze %dma_wait3A_385 : memref<1x16x1024xf32, #tpu.memory_space<vmem>> -> memref<16x1024xf32, #tpu.memory_space<vmem>>
    tpu.wait_dma2 semaphore(%arg14 : memref<!tpu.dma_semaphore, #tpu.memory_space<semaphore_mem>>) src(%dma_wait3A_386 : memref<16x1024xf32, #tpu.memory_space<vmem>>) dst(%dma_wait3A_382 : memref<16x1024xf32, #tpu.memory_space<hbm>>)
    %dma_wait3A_387 = arith.constant 2 : i32
    %dma_wait3A_388 = arith.constant 0 : i32
    %dma_wait3A_389 = arith.constant 0 : i32
    %dma_wait3A_390 = tpu.memref_slice %arg11[%dma_wait3A_387, %dma_wait3A_388, %dma_wait3A_389] : memref<3x32x1024xf32, #tpu.memory_space<vmem>> -> memref<1x16x1024xf32, #tpu.memory_space<vmem>>
    %dma_wait3A_391 = tpu.memref_squeeze %dma_wait3A_390 : memref<1x16x1024xf32, #tpu.memory_space<vmem>> -> memref<16x1024xf32, #tpu.memory_space<vmem>>
    %dma_wait3A_392 = arith.constant 0 : i32
    %dma_wait3A_393 = tpu.memref_slice %arg6[%add3A_296, %dma_wait3A_392] : memref<2048x2176xf32, #tpu.memory_space<hbm>> -> memref<16x1024xf32, #tpu.memory_space<hbm>>
    %dma_wait3A_394 = arith.constant 0 : i32
    %dma_wait3A_395 = tpu.memref_slice %arg6[%add3A_296, %dma_wait3A_394] : memref<2048x2176xf32, #tpu.memory_space<hbm>> -> memref<16x1024xf32, #tpu.memory_space<hbm>>
    %dma_wait3A_396 = arith.constant 0 : i32
    %dma_wait3A_397 = arith.constant 0 : i32
    %dma_wait3A_398 = tpu.memref_slice %arg11[%dma_wait3A_387, %dma_wait3A_396, %dma_wait3A_397] : memref<3x32x1024xf32, #tpu.memory_space<vmem>> -> memref<1x16x1024xf32, #tpu.memory_space<vmem>>
    %dma_wait3A_399 = tpu.memref_squeeze %dma_wait3A_398 : memref<1x16x1024xf32, #tpu.memory_space<vmem>> -> memref<16x1024xf32, #tpu.memory_space<vmem>>
    tpu.wait_dma2 semaphore(%arg14 : memref<!tpu.dma_semaphore, #tpu.memory_space<semaphore_mem>>) src(%dma_wait3A_399 : memref<16x1024xf32, #tpu.memory_space<vmem>>) dst(%dma_wait3A_395 : memref<16x1024xf32, #tpu.memory_space<hbm>>)
    %dma_wait3A_400 = arith.constant 2 : i32
    %dma_wait3A_401 = arith.constant 16 : i32
    %dma_wait3A_402 = arith.constant 0 : i32
    %dma_wait3A_403 = tpu.memref_slice %arg11[%dma_wait3A_400, %dma_wait3A_401, %dma_wait3A_402] : memref<3x32x1024xf32, #tpu.memory_space<vmem>> -> memref<1x16x1024xf32, #tpu.memory_space<vmem>>
    %dma_wait3A_404 = tpu.memref_squeeze %dma_wait3A_403 : memref<1x16x1024xf32, #tpu.memory_space<vmem>> -> memref<16x1024xf32, #tpu.memory_space<vmem>>
    %dma_wait3A_405 = arith.constant 1024 : i32
    %dma_wait3A_406 = tpu.memref_slice %arg6[%add3A_296, %dma_wait3A_405] : memref<2048x2176xf32, #tpu.memory_space<hbm>> -> memref<16x1024xf32, #tpu.memory_space<hbm>>
    %dma_wait3A_407 = arith.constant 1024 : i32
    %dma_wait3A_408 = tpu.memref_slice %arg6[%add3A_296, %dma_wait3A_407] : memref<2048x2176xf32, #tpu.memory_space<hbm>> -> memref<16x1024xf32, #tpu.memory_space<hbm>>
    %dma_wait3A_409 = arith.constant 16 : i32
    %dma_wait3A_410 = arith.constant 0 : i32
    %dma_wait3A_411 = tpu.memref_slice %arg11[%dma_wait3A_400, %dma_wait3A_409, %dma_wait3A_410] : memref<3x32x1024xf32, #tpu.memory_space<vmem>> -> memref<1x16x1024xf32, #tpu.memory_space<vmem>>
    %dma_wait3A_412 = tpu.memref_squeeze %dma_wait3A_411 : memref<1x16x1024xf32, #tpu.memory_space<vmem>> -> memref<16x1024xf32, #tpu.memory_space<vmem>>
    tpu.wait_dma2 semaphore(%arg14 : memref<!tpu.dma_semaphore, #tpu.memory_space<semaphore_mem>>) src(%dma_wait3A_412 : memref<16x1024xf32, #tpu.memory_space<vmem>>) dst(%dma_wait3A_408 : memref<16x1024xf32, #tpu.memory_space<hbm>>)
    %dma_wait3A_413 = arith.constant 0 : i32
    %dma_wait3A_414 = arith.constant 0 : i32
    %dma_wait3A_415 = arith.constant 0 : i32
    %dma_wait3A_416 = tpu.memref_slice %arg11[%dma_wait3A_413, %dma_wait3A_414, %dma_wait3A_415] : memref<3x32x1024xf32, #tpu.memory_space<vmem>> -> memref<1x16x1024xf32, #tpu.memory_space<vmem>>
    %dma_wait3A_417 = tpu.memref_squeeze %dma_wait3A_416 : memref<1x16x1024xf32, #tpu.memory_space<vmem>> -> memref<16x1024xf32, #tpu.memory_space<vmem>>
    %dma_wait3A_418 = arith.constant 0 : i32
    %dma_wait3A_419 = tpu.memref_slice %arg6[%add3A_334, %dma_wait3A_418] : memref<2048x2176xf32, #tpu.memory_space<hbm>> -> memref<16x1024xf32, #tpu.memory_space<hbm>>
    %dma_wait3A_420 = arith.constant 0 : i32
    %dma_wait3A_421 = tpu.memref_slice %arg6[%add3A_334, %dma_wait3A_420] : memref<2048x2176xf32, #tpu.memory_space<hbm>> -> memref<16x1024xf32, #tpu.memory_space<hbm>>
    %dma_wait3A_422 = arith.constant 0 : i32
    %dma_wait3A_423 = arith.constant 0 : i32
    %dma_wait3A_424 = tpu.memref_slice %arg11[%dma_wait3A_413, %dma_wait3A_422, %dma_wait3A_423] : memref<3x32x1024xf32, #tpu.memory_space<vmem>> -> memref<1x16x1024xf32, #tpu.memory_space<vmem>>
    %dma_wait3A_425 = tpu.memref_squeeze %dma_wait3A_424 : memref<1x16x1024xf32, #tpu.memory_space<vmem>> -> memref<16x1024xf32, #tpu.memory_space<vmem>>
    tpu.wait_dma2 semaphore(%arg14 : memref<!tpu.dma_semaphore, #tpu.memory_space<semaphore_mem>>) src(%dma_wait3A_425 : memref<16x1024xf32, #tpu.memory_space<vmem>>) dst(%dma_wait3A_421 : memref<16x1024xf32, #tpu.memory_space<hbm>>)
    %dma_wait3A_426 = arith.constant 0 : i32
    %dma_wait3A_427 = arith.constant 16 : i32
    %dma_wait3A_428 = arith.constant 0 : i32
    %dma_wait3A_429 = tpu.memref_slice %arg11[%dma_wait3A_426, %dma_wait3A_427, %dma_wait3A_428] : memref<3x32x1024xf32, #tpu.memory_space<vmem>> -> memref<1x16x1024xf32, #tpu.memory_space<vmem>>
    %dma_wait3A_430 = tpu.memref_squeeze %dma_wait3A_429 : memref<1x16x1024xf32, #tpu.memory_space<vmem>> -> memref<16x1024xf32, #tpu.memory_space<vmem>>
    %dma_wait3A_431 = arith.constant 1024 : i32
    %dma_wait3A_432 = tpu.memref_slice %arg6[%add3A_334, %dma_wait3A_431] : memref<2048x2176xf32, #tpu.memory_space<hbm>> -> memref<16x1024xf32, #tpu.memory_space<hbm>>
    %dma_wait3A_433 = arith.constant 1024 : i32
    %dma_wait3A_434 = tpu.memref_slice %arg6[%add3A_334, %dma_wait3A_433] : memref<2048x2176xf32, #tpu.memory_space<hbm>> -> memref<16x1024xf32, #tpu.memory_space<hbm>>
    %dma_wait3A_435 = arith.constant 16 : i32
    %dma_wait3A_436 = arith.constant 0 : i32
    %dma_wait3A_437 = tpu.memref_slice %arg11[%dma_wait3A_426, %dma_wait3A_435, %dma_wait3A_436] : memref<3x32x1024xf32, #tpu.memory_space<vmem>> -> memref<1x16x1024xf32, #tpu.memory_space<vmem>>
    %dma_wait3A_438 = tpu.memref_squeeze %dma_wait3A_437 : memref<1x16x1024xf32, #tpu.memory_space<vmem>> -> memref<16x1024xf32, #tpu.memory_space<vmem>>
    tpu.wait_dma2 semaphore(%arg14 : memref<!tpu.dma_semaphore, #tpu.memory_space<semaphore_mem>>) src(%dma_wait3A_438 : memref<16x1024xf32, #tpu.memory_space<vmem>>) dst(%dma_wait3A_434 : memref<16x1024xf32, #tpu.memory_space<hbm>>)
    %dma_wait3A_439 = arith.constant 2048 : i32
    %dma_wait3A_440 = tpu.memref_slice %arg6[%mul3A_2, %dma_wait3A_439] : memref<2048x2176xf32, #tpu.memory_space<hbm>> -> memref<64x128xf32, #tpu.memory_space<hbm>>
    %dma_wait3A_441 = arith.constant 2048 : i32
    %dma_wait3A_442 = tpu.memref_slice %arg6[%mul3A_2, %dma_wait3A_441] : memref<2048x2176xf32, #tpu.memory_space<hbm>> -> memref<64x128xf32, #tpu.memory_space<hbm>>
    tpu.wait_dma2 semaphore(%arg15 : memref<!tpu.dma_semaphore, #tpu.memory_space<semaphore_mem>>) src(%arg12 : memref<64x128xf32, #tpu.memory_space<vmem>>) dst(%dma_wait3A_442 : memref<64x128xf32, #tpu.memory_space<hbm>>)
    return
  }
}

</mosaic_0001>

<sc_bundles>
// kernel: kernel.3.cloned.1.call-start
scs
__scs_entry_jumppad:
0x0: {  	(pc) =	sbr.rel $0x88, $3  }
0x1: {  	(tag) =	ssettag $0x0;
	lr =	simm.s32 $0x1  }
0x2: {  	[smem:$0x3F9E] =	sst lr;
	_ =	strace $0xD0000000  }
0x3: {  	_ = 	snop  }
0x4: {  	_ = 	snop  }
0x5: {  	_ = 	snop  }
0x6: {  	_ = 	snop  }
0x7: {  	_ = 	snop  }
__scs_overlays_trampoline_lowered:
0x8: {  	[smem:$0x3FAD] =	sst s0  }
0x9: {  	[smem:$0x3FAE] =	sst s1  }
0xa: {  	[smem:$0x3FAF] =	sst s2  }
0xb: {  	[smem:$0x3FB0] =	sst s3  }
0xc: {  	[smem:$0x3FB1] =	sst s4  }
0xd: {  	[smem:$0x3FB2] =	sst s5  }
0xe: {  	[smem:$0x3FB3] =	sst s6  }
0xf: {  	[smem:$0x3FB4] =	sst s7  }
0x10: {  	[smem:$0x3FB5] =	sst s8  }
0x11: {  	[smem:$0x3FB6] =	sst s9;
	s0 =	simm.s32 @!p0 $0x0  }
0x12: {  	s1 =	sld [smem:$0x3F9C];
	s0 =	simm.s32 @p0 $0x1  }
0x13: {  	[smem:$0x3FB7] =	sst s0;
	s0 =	simm.s32 @!p1 $0x0  }
0x14: {  	s2 =	sld [smem:$0x3F9B];
	s0 =	simm.s32 @p1 $0x1  }
0x15: {  	[smem:$0x3FB8] =	sst s0;
	s0 =	simm.s32 @!p2 $0x0  }
0x16: {  	s3 =	sld [smem:$0x3FDB];
	s0 =	simm.s32 @p2 $0x1  }
0x17: {  	s4 =	simm.s32 $0x1BF5;
	[smem:$0x3FBA] =	sst s0  }
0x18: {  	s0 =	sld [smem:$0x3F9D];
	_ =	swait.ge [sflag:s4], $0x0  }
0x19: {  	s7 =	sld [smem:$0x3F9E]  }
0x1a: {  	s8 =	sadd.s32 $0xFFFFE003, lr  }
0x1b: {  	s9 =	sadd.s32 $0xFFFFFEF7, lr;
	s5 =	simm.s32 $0xFFFFFFFF;
	p2 =	slt.u32 s8, $0xFFFFF086  }
0x1c: {  	p1 =	slt.u32 s9, $0xF7A;
	s5 =	simm.s32 @!p2 $0x0  }
0x1d: {  	s5 =	simm.s32 @p1 $0x1;
	p0 =	seq.s32 s7, s2  }
0x1e: {  	s7 =	smul.u32 @!p0 $0xF7A, s2;
	p2 =	seq.s32 @!p0 s5, $0x0  }
0x1f: {  	s9 =	smul.u32 $0xF7A, s1;
	s8 =	simm.s32 @!p0 $0x1BF5;
	p2 =	por !p2, p0  }
0x20: {  	[sflag:s8] =	ssyncset.s32 @!p0 $0xFFFFF086;
	s6 =	sadd.s32 @!p0 s3, s7;
	s7 =	simm.s32 @!p0 $0x108  }
0x21: {  	s3 =	sadd.s32 s3, s9;
	s6 =	sadd.s32 @!p0 $0x88, s6;
	s7 =	simm.s32 @p2 $0x1082  }
0x22: {  	[simem:s7], [sflag:s8] =	dma.local @!p0 [hbm:s6], $0xF7A  }
0x23: {  	s9 =	sor.u32 $0xD0000000, s2;
	s6 =	simm.s32 $0x108;
	_ =	swait.ge @!p0 [sflag:s8], $0x0  }
0x24: {  	s3 =	sadd.s32 $0x88, s3;
	s6 =	simm.s32 @!p1 $0x1082;
	[sflag:s4] =	ssyncset.s32 $0xFFFFF086  }
0x25: {  	[simem:s6], [sflag:s4] =	dma.local [hbm:s3], $0xF7A  }
0x26: {  	[smem:$0x3F9E] =	sst s1;
	(tag) =	ssettag s2;
	_ =	strace s9  }
0x27: {  	s1 =	sld [smem:$0x3FAE]  }
0x28: {  	s2 =	sld [smem:$0x3FAF]  }
0x29: {  	s4 =	sld [smem:$0x3FB1]  }
0x2a: {  	p0 =	seq.s32 s5, $0x0;
	s5 =	sld [smem:$0x3FB2]  }
0x2b: {  	s6 =	sld [smem:$0x3FB3]  }
0x2c: {  	s7 =	sld [smem:$0x3FB4]  }
0x2d: {  	s3 =	simm.s32 $0x108;
	s8 =	sld [smem:$0x3FB5]  }
0x2e: {  	s3 =	simm.s32 @!p0 $0x1082;
	s9 =	sld [smem:$0x3FB6]  }
0x2f: {  	lr =	sadd.s32 s0, s3;
	s0 =	sld [smem:$0x3FAD]  }
0x30: {  	s3 =	sld [smem:$0x3FB0]  }
0x31: {  	[smem:$0x3FB9] =	sst s10  }
0x32: {  	s10 =	sld [smem:$0x3FB7];
	_ =	sdelay $0x3  }
0x33: {  	p0 =	seq.s32 s10, $0x1;
	s10 =	sld [smem:$0x3FB9];
	_ =	sdelay $0x3  }
0x34: {  	[smem:$0x3FB9] =	sst s10  }
0x35: {  	s10 =	sld [smem:$0x3FB8];
	_ =	sdelay $0x3  }
0x36: {  	p1 =	seq.s32 s10, $0x1;
	s10 =	sld [smem:$0x3FB9];
	_ =	sdelay $0x3  }
0x37: {  	[smem:$0x3FB9] =	sst s10  }
0x38: {  	s10 =	sld [smem:$0x3FBA]  }
0x39: {  	_ = 	snop;
	(pc) =	sbr.ind lr, $3  }
0x3a: {  	_ = 	snop  }
0x3b: {  	_ = 	snop  }
0x3c: {  	p2 =	seq.s32 s10, $0x1;
	s10 =	sld [smem:$0x3FB9]  }
0x3d: {  	_ =	shalt  }
0x3e: {  	_ =	shalt  }
0x3f: {  	_ =	shalt  }
0x40: {  	_ =	shalt  }
0x41: {  	_ =	shalt  }
0x42: {  	_ =	shalt  }
0x43: {  	_ =	shalt  }
0x44: {  	_ =	shalt  }
0x45: {  	_ =	shalt  }
0x46: {  	_ =	shalt  }
0x47: {  	_ =	shalt  }
0x48: {  	_ =	shalt  }
0x49: {  	_ =	shalt  }
0x4a: {  	_ =	shalt  }
0x4b: {  	_ =	shalt  }
0x4c: {  	_ =	shalt  }
0x4d: {  	_ =	shalt  }
0x4e: {  	_ =	shalt  }
0x4f: {  	_ =	shalt  }
0x50: {  	_ =	shalt  }
0x51: {  	_ =	shalt  }
0x52: {  	_ =	shalt  }
0x53: {  	_ =	shalt  }
0x54: {  	_ =	shalt  }
0x55: {  	_ =	shalt  }
0x56: {  	_ =	shalt  }
0x57: {  	_ =	shalt  }
0x58: {  	_ =	shalt  }
0x59: {  	_ =	shalt  }
0x5a: {  	_ =	shalt  }
0x5b: {  	_ =	shalt  }
0x5c: {  	_ =	shalt  }
0x5d: {  	_ =	shalt  }
0x5e: {  	_ =	shalt  }
0x5f: {  	_ =	shalt  }
0x60: {  	_ =	shalt  }
0x61: {  	_ =	shalt  }
0x62: {  	_ =	shalt  }
0x63: {  	_ =	shalt  }
0x64: {  	_ =	shalt  }
0x65: {  	_ =	shalt  }
0x66: {  	_ =	shalt  }
0x67: {  	_ =	shalt  }
0x68: {  	_ =	shalt  }
0x69: {  	_ =	shalt  }
0x6a: {  	_ =	shalt  }
0x6b: {  	_ =	shalt  }
0x6c: {  	_ =	shalt  }
0x6d: {  	_ =	shalt  }
0x6e: {  	_ =	shalt  }
0x6f: {  	_ =	shalt  }
0x70: {  	_ =	shalt  }
0x71: {  	_ =	shalt  }
0x72: {  	_ =	shalt  }
0x73: {  	_ =	shalt  }
0x74: {  	_ =	shalt  }
0x75: {  	_ =	shalt  }
0x76: {  	_ =	shalt  }
0x77: {  	_ =	shalt  }
0x78: {  	_ =	shalt  }
0x79: {  	_ =	shalt  }
0x7a: {  	_ =	shalt  }
0x7b: {  	_ =	shalt  }
0x7c: {  	_ =	shalt  }
0x7d: {  	_ =	shalt  }
0x7e: {  	_ =	shalt  }
0x7f: {  	_ =	shalt  }
0x80: {  	_ =	shalt  }
0x81: {  	_ =	shalt  }
0x82: {  	_ =	shalt  }
0x83: {  	_ =	shalt  }
0x84: {  	_ =	shalt  }
0x85: {  	_ =	shalt  }
0x86: {  	_ =	shalt  }
0x87: {  	_ =	shalt  }
.Lfunc_end0:
.L_simem_size_0:
called_computation_lowered:
.L_overlay_start_0:
0x88: {  	s2 =	sld [smem:$0x3FD9]  }
0x89: {  	s3 =	sld [smem:$0x3FFE];
	_ =	sdelay $0x1  }
0x8a: {  	s1 =	srdreg.scid  }
0x8b: {  	s0 =	sand.u32 $0x1, s1  }
0x8c: {  	s17 =	sshll.u32 s0, $0xA;
	s2 =	sadd.s32 s3, s2  }
0x8d: {  	s2 =	sadd.s32 s2, s17  }
0x8e: {  	[smem:$0x3FC5] =	sst s2  }
0x8f: {  	_ = 	snop  }
0x90: {  	s2 =	sld [smem:$0x3FC9]  }
0x91: {  	s18 =	sld [smem:$0x3FD0];
	(tm) =	ssettm $0x1  }
0x92: {  	s4 =	sld [smem:$0x3FFB];
	_ =	sdelay $0x3  }
0x93: {  	_ =	strace s4  }
0x94: {  	s4 =	sld [smem:$0x3FFC];
	_ =	sdelay $0x3  }
0x95: {  	_ =	strace s4  }
0x96: {  	s4 =	sld [smem:$0x3FFD];
	_ =	sdelay $0x3  }
0x97: {  	_ =	strace s4  }
0x98: {  	_ =	strace $0x8FFFFFFF  }
0x99: {  	s19 =	sld [smem:$0x3FDB];
	_ =	sdelay $0x1  }
0x9a: {  	s5 =	simm.s32 $_scs_section_size  }
0x9b: {  	s6 =	simm.s32 $_size__tile_overlayer_lowered;
	s7 =	simm.s32 $_tile_overlayer_lowered  }
0x9c: {  	s22 =	simm.s32 $0x1BFF;
	s21 =	sshll.u32 s7, $0x1;
	s4 =	sadd.s32 s5, s19  }
0x9d: {  	s8 =	simm.s32 $0x0;
	s20 =	sshll.u32 s6, $0x1;
	s6 =	sadd.s32 s21, s4  }
0x9e: {  	[timem:s8], [sflag:s22] =	dma.local [hbm:s6], s20  }
0x9f: {  	_ =	swait.ge [sflag:s22], s20  }
0xa0: {  	s5 =	ssub.s32 $0x0, s20;
	[sflag:s22] =	ssyncset.done $0x0  }
0xa1: {  	[sflag:s22] =	ssyncadd.s32 s5;
	_ =	sdelay $0x1  }
0xa2: {  	s23 =	simm.s32 $0x1B8B  }
0xa3: {  	_ =	swait.ge [sflag:s23], $0x1  }
0xa4: {  	[sflag:s23] =	ssyncset.done $0x0  }
0xa5: {  	s25 =	simm.s32 $0x1B8E;
	s24 =	sld [smem:$0x3FFE];
	[sflag:s23] =	ssyncadd.s32 $0xFFFFFFFF  }
0xa6: {  	s26 =	simm.s32 $execute0_lowered;
	[smem:$0x3FD2] =	sst s25  }
0xa7: {  	s6 =	sshll.u32 s26, $0x1;
	_ =	strace $0x80000046;
	[dreg:$0x1] =	wrdreg $0xFFFFFFFF  }
0xa8: {  	s28 =	simm.s32 $_size_execute0_lowered;
	s4 =	sadd.s32 s4, s6;
	[dreg:$0x0] =	wrdreg $0x0  }
0xa9: {  	s6 =	sshll.u32 s28, $0x1;
	[dreg:$0x2] =	wrdreg s4  }
0xaa: {  	[dreg:$0x3] =	wrdreg s6  }
0xab: {  	[dreg:$0x4] =	wrdreg $0xC0  }
0xac: {  	_ =	task [dreg:s8], $0x5FFFF  }
0xad: {  	[dreg:$0x1] =	wrdreg $0xFFFFFFFF  }
0xae: {  	[dreg:$0x0] =	wrdreg $0x60  }
0xaf: {  	[dreg:$0x2] =	wrdreg s2  }
0xb0: {  	[dreg:$0x3] =	wrdreg s24  }
0xb1: {  	[dreg:$0x4] =	wrdreg s18  }
0xb2: {  	[dreg:$0x5] =	wrdreg $0x9  }
0xb3: {  	_ =	task.clear_ibuf [dreg:s8], $0x6FFFF;
	_ =	strace $0x90000046  }
0xb4: {  	s29 =	simm.s32 $0x9;
	_ =	strace $0x80000048  }
0xb5: {  	_ =	swait.ge [sflag:s29], $0x1  }
0xb6: {  	[sflag:s29] =	ssyncadd.s32 $0xFFFFFFFF  }
0xb7: {  	_ =	strace $0x90000048  }
0xb8: {  	_ =	sfence  }
0xb9: {  	s30 =	sld [smem:$0x0];
	_ =	sdelay $0x2  }
0xba: {  	s31 =	sshll.u32 s1, $0xD;
	s1 =	sshrl.u32 s1, $0x2  }
0xbb: {  	s3 =	sand.u32 $0x4000, s31;
	s1 =	sadd.s32 s1, s30  }
0xbc: {  	s0 =	sor.u32 s3, s0;
	s1 =	sshll.u32 s1, $0x11  }
0xbd: {  	s0 =	sor.u32 s1, s0  }
0xbe: {  	s0 =	sadd.s32 $0x8F2B, s0  }
0xbf: {  	[sflag:s0] =	ssyncadd.remote.s32 $0x1  }
0xc0: {  	_ =	sfence.sel $0xFFFF  }
0xc1: {  	[dreg:$0x0] =	wrdreg $0xFFFFFFFF;
	(pc) =	sbr.abs _section_cstart, $3  }
0xc2: {  	[dreg:$0x1] =	wrdreg $0xFFFFFFFF  }
0xc3: {  	_ =	task.clear_ibuf [dreg:s8], $0x2FFFF;
	_ =	strace $0x9FFFFFFF  }
0xc4: {  	(tm) =	ssettm $0x7FFFFFFF  }
0xc5: {  	_ =	shalt  }
tec
execute0_lowered:
.L_overlay_start_1:
0x0: {  	(tag) =	ssettag $0x1  }
0x1: {  	s1 =	rddreg [dreg:$0x0]  }
0x2: {  	s4 =	rddreg [dreg:$0x1]  }
0x3: {  	s3 =	stileid.u32;
	s5 =	rddreg [dreg:$0x2]  }
0x4: {  	s6 =	sshll.u32 s3, $0x7;
	[dreg:$0x4] =	wrdreg s5;
	s3 =	simm.s32 $0x0  }
0x5: {  	s17 =	simm.s32 $0x80;
	[smem:$0x7FF] =	sst s3  }
0x6: {  	s18 =	simm.s32 $0x8A00;
	_ =	strace $0x80000047;
	[dreg:$0x10] =	wrdreg s17  }
0x7: {  	s19 =	simm.s32 $0x9200;
	[dreg:$0x11] =	wrdreg s18  }
0x8: {  	s20 =	simm.s32 $0x9A00;
	[dreg:$0x12] =	wrdreg s19  }
0x9: {  	s21 =	simm.s32 $0xA200;
	[dreg:$0x13] =	wrdreg s20  }
0xa: {  	s22 =	simm.s32 $0xAA00;
	[dreg:$0x14] =	wrdreg s21  }
0xb: {  	s23 =	simm.s32 $0xB200;
	[dreg:$0x15] =	wrdreg s22  }
0xc: {  	s24 =	simm.s32 $0xBA00;
	[dreg:$0x16] =	wrdreg s23  }
0xd: {  	s25 =	simm.s32 $0xCA00;
	[dreg:$0x17] =	wrdreg s24  }
0xe: {  	s26 =	simm.s32 $0xD200;
	[dreg:$0x18] =	wrdreg s25  }
0xf: {  	[dreg:$0x19] =	wrdreg s26;
	s17 =	simm.s32 $0x12A00  }
0x10: {  	s18 =	simm.s32 $0x13200;
	[smem:$0x7F4] =	sst s17  }
0x11: {  	s19 =	simm.s32 $0x13A00;
	[smem:$0x7F5] =	sst s18  }
0x12: {  	s20 =	simm.s32 $0x14A00;
	[smem:$0x7F6] =	sst s19  }
0x13: {  	s21 =	simm.s32 $0x15200;
	[smem:$0x7F7] =	sst s20  }
0x14: {  	s0 =	srdreg.scid;
	s22 =	simm.s32 $0x15A00;
	[smem:$0x7F8] =	sst s21  }
0x15: {  	s30 =	simm.s32 $0x4400;
	s23 =	simm.s32 $0x16200;
	[smem:$0x7F9] =	sst s22  }
0x16: {  	s2 =	sand.u32 $0x1, s0;
	s24 =	simm.s32 $0x16A00;
	[smem:$0x7FA] =	sst s23  }
0x17: {  	s7 =	sshll.u32 s2, $0x6;
	s25 =	simm.s32 $0x17200;
	[smem:$0x7FB] =	sst s24  }
0x18: {  	s0 =	sor.u32 s7, s6;
	s26 =	simm.s32 $0x17A00;
	[smem:$0x7FC] =	sst s25  }
0x19: {  	s31 =	simm.s32 $0x2000;
	s8 =	sshrl.u32 s0, $0x3;
	[smem:$0x7FD] =	sst s26  }
0x1a: {  	s6 =	smul.u32 $0x4400, s8;
	s5 =	sadd.s32 s8, s4;
	s8 =	simm.s32 $0xEA00  }
0x1b: {  	s29 =	simm.s32 $0x4200;
	s7 =	sadd.s32 $0x800, s5;
	[dreg:$0x1c] =	wrdreg s8  }
0x1c: {  	s28 =	simm.s32 $0x7200;
	s5 =	sadd.s32 $0x600, s5;
	[dreg:$0x5] =	wrdreg s7  }
0x1d: {  	s2 =	ssub.s32 $0x2, s2;
	s8 =	simm.s32 $0x40;
	[dreg:$0x6] =	wrdreg s5  }
0x1e: {  	s6 =	sshrl.u32 s6, $0x3;
	s5 =	simm.s32 $0xDA00;
	[dreg:$0x1f] =	wrdreg s8  }
0x1f: {  	s7 =	simm.s32 $0xE200;
	s4 =	sadd.s32 s6, s4;
	[dreg:$0x1a] =	wrdreg s5  }
0x20: {  	s17 =	simm.s32 $0x200;
	[dreg:$0x1b] =	wrdreg s7;
	s9 =	sadd.s32 $0x1200, s4  }
0x21: {  	s18 =	simm.s32 $0x2200;
	s10 =	sadd.s32 $0xA00, s4;
	[dreg:$0x7] =	wrdreg s9  }
0x22: {  	s19 =	simm.s32 $0x2A00;
	s11 =	sadd.s32 $0xE00, s4;
	[dreg:$0x8] =	wrdreg s10  }
0x23: {  	s20 =	simm.s32 $0x3200;
	s12 =	sadd.s32 $0x1B00, s4;
	[dreg:$0x9] =	wrdreg s11  }
0x24: {  	s21 =	simm.s32 $0x3A00;
	s13 =	sadd.s32 $0x1F00, s4;
	[dreg:$0xa] =	wrdreg s12  }
0x25: {  	s22 =	simm.s32 $0x4A00;
	s14 =	sadd.s32 $0x2C00, s4;
	[dreg:$0xb] =	wrdreg s13  }
0x26: {  	s23 =	simm.s32 $0x5200;
	s15 =	sadd.s32 $0x3000, s4;
	[dreg:$0xc] =	wrdreg s14  }
0x27: {  	s24 =	simm.s32 $0x5A00;
	s16 =	sadd.s32 $0x3D00, s4;
	[dreg:$0xd] =	wrdreg s15  }
0x28: {  	s25 =	simm.s32 $0x6200;
	s4 =	sadd.s32 $0x4100, s4;
	[dreg:$0xe] =	wrdreg s16  }
0x29: {  	s26 =	simm.s32 $0x6A00;
	[dreg:$0xf] =	wrdreg s4;
	s9 =	simm.s32 $0xF200  }
0x2a: {  	s8 =	simm.s32 $0x1;
	s10 =	simm.s32 $0xFA00;
	[dreg:$0x1d] =	wrdreg s9  }
0x2b: {  	s6 =	sshrl.u32 s2, $0x1;
	s11 =	simm.s32 $0x180;
	[dreg:$0x1e] =	wrdreg s10  }
0x2c: {  	s5 =	sadd.s32 $0x200, s1;
	s12 =	simm.s32 $0x400;
	[smem:$0x7EE] =	sst s11  }
0x2d: {  	s2 =	ssub.s32 s2, s6;
	s13 =	simm.s32 $0x10A00;
	[smem:$0x7EF] =	sst s12  }
0x2e: {  	s6 =	sadd.s32 $0x300, s1;
	s14 =	simm.s32 $0x11200;
	[smem:$0x7F0] =	sst s13  }
0x2f: {  	v0 =	vmov s0;
	s4 =	sadd.s32 $0x100, s1;
	s15 =	simm.s32 $0x11A00;
	[smem:$0x7F1] =	sst s14  }
0x30: {  	v3 =	vlaneseq.u32;
	vm0 =	vmmov $0xffff;
	v0 =	vshll.u32 v0, $0x3;
	s7 =	smax.u32 s2, $0x1;
	s16 =	simm.s32 $0x12200;
	[smem:$0x7F2] =	sst s15  }
0x31: {  	v1 =	vand.u32 $0x7, v3;
	v2 =	vshrl.u32 v3, $0x3;
	v0 =	vand.u32 $0xFFFFF000, v0;
	[smem:$0x7F3] =	sst s16;
	s14 =	simm.s32 $0x3;
	s10 =	simm.s32 $0x2  }
0x32: {  	v3 =	vor.u32 $0x8, v3;
	v2 =	vmul.u32 $0x8, v2;
	v0 =	vbroadcast v0, $0x0;
	s15 =	simm.s32 $0x1200;
	s16 =	simm.s32 $0x1A00;
	s9 =	simm.s32 $0xC200  }
.LBB2_1:
0x33: {  	s11 =	rddreg [dreg:$0x5]  }
0x34: {  	s12 =	rddreg [dreg:$0x6]  }
0x35: {  	[tilespmem:s3], [sflag:$0x1] =	stream.linear.gather [hbm4b:s11+s3], $0x40, $0x38;
	[tilespmem:$0x1A200] =	vst v63  }
0x36: {  	s13 =	rddreg [dreg:$0x10]  }
0x37: {  	[tilespmem:s13], [sflag:$0x1] =	stream.linear.gather [hbm4b:s12+s3], $0x40, $0x38;
	[tilespmem:$0x1A200] =	vst v63  }
0x38: {  	_ =	swait.ge [sflag:s8], $0x40  }
0x39: {  	[sflag:s8] =	ssyncset.done $0x0  }
0x3a: {  	[sflag:s8] =	ssyncadd.s32 $0xFFFFFFC0  }
0x3b: {  	_ =	swait.ge [sflag:s8], $0x40  }
0x3c: {  	[sflag:s8] =	ssyncset.done $0x0  }
0x3d: {  	[sflag:s8] =	ssyncadd.s32 $0xFFFFFFC0  }
0x3e: {  	v4 =	vld [tilespmem:$0x0];
	_ =	sdelay $0x4  }
0x3f: {  	v5 =	vadd.s32 v0, v4  }
0x40: {  	[tilespmem:$0x100] =	vst v5  }
0x41: {  	v5 =	vld [tilespmem:$0x100];
	_ =	sdelay $0x4  }
0x42: {  	v6 =	vshll.u32 v5, $0x3  }
0x43: {  	v5 =	vand.u32 $0x7, v5;
	v6 =	vand.u32 $0xFFFFFFC0, v6  }
0x44: {  	v7 =	vld [tilespmem:$0x80];
	v5 =	vor.u32 v5, v6  }
0x45: {  	v6 =	vperm.xlane v5, v1;
	_ =	sdelay $0x1  }
0x46: {  	v6 =	vadd.s32 v2, v6;
	_ =	sdelay $0x1  }
0x47: {  	v8 =	vadd.s32 v0, v7  }
0x48: {  	v4 =	vsub.s32 v7, v4;
	[tilespmem:$0x110] =	vst v8  }
0x49: {  	[tilespmem:$0x180] =	vst v4  }
0x4a: {  	[tilespmem:s17], [sflag:$0x1] =	stream.indirect_vreg.gather [hbm4b:s1+s3], $0x80, v6, vm0, $0xb8;
	[tilespmem:$0x1A200] =	vst v63  }
0x4b: {  	s0 =	simm.s32 $0xA00;
	v4 =	vperm.xlane v5, v3  }
0x4c: {  	[tilespmem:s0], [sflag:$0x1] =	stream.indirect_vreg.gather [hbm4b:s4+s3], $0x80, v6, vm0, $0xb8;
	[tilespmem:$0x1A200] =	vst v63  }
0x4d: {  	v4 =	vadd.s32 v2, v4  }
0x4e: {  	[tilespmem:s15], [sflag:$0x1] =	stream.indirect_vreg.gather [hbm4b:s5+s3], $0x80, v6, vm0, $0xb8;
	[tilespmem:$0x1A200] =	vst v63  }
0x4f: {  	_ = 	snop  }
0x50: {  	[tilespmem:s16], [sflag:$0x1] =	stream.indirect_vreg.gather [hbm4b:s6+s3], $0x80, v6, vm0, $0xb8;
	[tilespmem:$0x1A200] =	vst v63  }
0x51: {  	_ = 	snop  }
0x52: {  	[tilespmem:s18], [sflag:$0x1] =	stream.indirect_vreg.gather [hbm4b:s1+s3], $0x80, v4, vm0, $0xb8;
	[tilespmem:$0x1A200] =	vst v63  }
0x53: {  	_ = 	snop  }
0x54: {  	[tilespmem:s19], [sflag:$0x1] =	stream.indirect_vreg.gather [hbm4b:s4+s3], $0x80, v4, vm0, $0xb8;
	[tilespmem:$0x1A200] =	vst v63  }
0x55: {  	_ = 	snop  }
0x56: {  	[tilespmem:s20], [sflag:$0x1] =	stream.indirect_vreg.gather [hbm4b:s5+s3], $0x80, v4, vm0, $0xb8;
	[tilespmem:$0x1A200] =	vst v63  }
0x57: {  	_ = 	snop  }
0x58: {  	[tilespmem:s21], [sflag:$0x1] =	stream.indirect_vreg.gather [hbm4b:s6+s3], $0x80, v4, vm0, $0xb8;
	[tilespmem:$0x1A200] =	vst v63  }
0x59: {  	v4 =	vld [tilespmem:$0x110];
	_ =	sdelay $0x4  }
0x5a: {  	v5 =	vshll.u32 v4, $0x3  }
0x5b: {  	v4 =	vand.u32 $0x7, v4;
	v5 =	vand.u32 $0xFFFFFFC0, v5  }
0x5c: {  	v4 =	vor.u32 v4, v5  }
0x5d: {  	v5 =	vperm.xlane v4, v1;
	_ =	sdelay $0x1  }
0x5e: {  	v5 =	vadd.s32 v2, v5;
	_ =	sdelay $0x4  }
0x5f: {  	[tilespmem:s29], [sflag:$0x1] =	stream.indirect_vreg.gather [hbm4b:s1+s3], $0x80, v5, vm0, $0xb8;
	[tilespmem:$0x1A200] =	vst v63  }
0x60: {  	v4 =	vperm.xlane v4, v3  }
0x61: {  	[tilespmem:s22], [sflag:$0x1] =	stream.indirect_vreg.gather [hbm4b:s4+s3], $0x80, v5, vm0, $0xb8;
	[tilespmem:$0x1A200] =	vst v63  }
0x62: {  	v4 =	vadd.s32 v2, v4  }
0x63: {  	[tilespmem:s23], [sflag:$0x1] =	stream.indirect_vreg.gather [hbm4b:s5+s3], $0x80, v5, vm0, $0xb8;
	[tilespmem:$0x1A200] =	vst v63  }
0x64: {  	_ = 	snop  }
0x65: {  	[tilespmem:s24], [sflag:$0x1] =	stream.indirect_vreg.gather [hbm4b:s6+s3], $0x80, v5, vm0, $0xb8;
	[tilespmem:$0x1A200] =	vst v63  }
0x66: {  	_ = 	snop  }
0x67: {  	[tilespmem:s25], [sflag:$0x1] =	stream.indirect_vreg.gather [hbm4b:s1+s3], $0x80, v4, vm0, $0xb8;
	[tilespmem:$0x1A200] =	vst v63  }
0x68: {  	_ = 	snop  }
0x69: {  	[tilespmem:s26], [sflag:$0x1] =	stream.indirect_vreg.gather [hbm4b:s4+s3], $0x80, v4, vm0, $0xb8;
	[tilespmem:$0x1A200] =	vst v63  }
0x6a: {  	_ = 	snop  }
0x6b: {  	[tilespmem:s28], [sflag:$0x1] =	stream.indirect_vreg.gather [hbm4b:s5+s3], $0x80, v4, vm0, $0xb8;
	[tilespmem:$0x1A200] =	vst v63  }
0x6c: {  	s11 =	simm.s32 $0x7A00  }
0x6d: {  	[tilespmem:s11], [sflag:$0x1] =	stream.indirect_vreg.gather [hbm4b:s6+s3], $0x80, v4, vm0, $0xb8;
	[tilespmem:$0x1A200] =	vst v63  }
0x6e: {  	v4 =	vld [tilespmem:$0x10];
	_ =	sdelay $0x4  }
0x6f: {  	v5 =	vadd.s32 v0, v4  }
0x70: {  	[tilespmem:$0x120] =	vst v5  }
0x71: {  	v5 =	vld [tilespmem:$0x120];
	_ =	sdelay $0x4  }
0x72: {  	v58 =	vshll.u32 v5, $0x3  }
0x73: {  	v5 =	vand.u32 $0x7, v5;
	v6 =	vand.u32 $0xFFFFFFC0, v58  }
0x74: {  	v59 =	vld [tilespmem:$0x90];
	v5 =	vor.u32 v5, v6  }
0x75: {  	v6 =	vperm.xlane v5, v1;
	_ =	sdelay $0x1  }
0x76: {  	v6 =	vadd.s32 v2, v6;
	_ =	sdelay $0x1  }
0x77: {  	v60 =	vadd.s32 v0, v59  }
0x78: {  	v4 =	vsub.s32 v59, v4;
	[tilespmem:$0x130] =	vst v60  }
0x79: {  	s0 =	simm.s32 $0x8200;
	[tilespmem:$0x190] =	vst v4  }
0x7a: {  	[tilespmem:s0], [sflag:$0x1] =	stream.indirect_vreg.gather [hbm4b:s1+s3], $0x80, v6, vm0, $0xb8;
	[tilespmem:$0x1A200] =	vst v63  }
0x7b: {  	s12 =	rddreg [dreg:$0x11];
	v4 =	vperm.xlane v5, v3  }
0x7c: {  	[tilespmem:s12], [sflag:$0x1] =	stream.indirect_vreg.gather [hbm4b:s4+s3], $0x80, v6, vm0, $0xb8;
	[tilespmem:$0x1A200] =	vst v63  }
0x7d: {  	s13 =	rddreg [dreg:$0x12];
	v4 =	vadd.s32 v2, v4  }
0x7e: {  	[tilespmem:s13], [sflag:$0x1] =	stream.indirect_vreg.gather [hbm4b:s5+s3], $0x80, v6, vm0, $0xb8;
	[tilespmem:$0x1A200] =	vst v63  }
0x7f: {  	s2 =	rddreg [dreg:$0x13]  }
0x80: {  	[tilespmem:s2], [sflag:$0x1] =	stream.indirect_vreg.gather [hbm4b:s6+s3], $0x80, v6, vm0, $0xb8;
	[tilespmem:$0x1A200] =	vst v63  }
0x81: {  	s13 =	rddreg [dreg:$0x14]  }
0x82: {  	[tilespmem:s13], [sflag:$0x1] =	stream.indirect_vreg.gather [hbm4b:s1+s3], $0x80, v4, vm0, $0xb8;
	[tilespmem:$0x1A200] =	vst v63  }
0x83: {  	s2 =	rddreg [dreg:$0x15]  }
0x84: {  	[tilespmem:s2], [sflag:$0x1] =	stream.indirect_vreg.gather [hbm4b:s4+s3], $0x80, v4, vm0, $0xb8;
	[tilespmem:$0x1A200] =	vst v63  }
0x85: {  	s13 =	rddreg [dreg:$0x16]  }
0x86: {  	[tilespmem:s13], [sflag:$0x1] =	stream.indirect_vreg.gather [hbm4b:s5+s3], $0x80, v4, vm0, $0xb8;
	[tilespmem:$0x1A200] =	vst v63  }
0x87: {  	s2 =	rddreg [dreg:$0x17]  }
0x88: {  	[tilespmem:s2], [sflag:$0x1] =	stream.indirect_vreg.gather [hbm4b:s6+s3], $0x80, v4, vm0, $0xb8;
	[tilespmem:$0x1A200] =	vst v63  }
0x89: {  	v4 =	vld [tilespmem:$0x130];
	_ =	sdelay $0x4  }
0x8a: {  	v5 =	vshll.u32 v4, $0x3  }
0x8b: {  	v4 =	vand.u32 $0x7, v4;
	v5 =	vand.u32 $0xFFFFFFC0, v5  }
0x8c: {  	v4 =	vor.u32 v4, v5  }
0x8d: {  	v5 =	vperm.xlane v4, v1;
	_ =	sdelay $0x1  }
0x8e: {  	v5 =	vadd.s32 v2, v5;
	_ =	sdelay $0x4  }
0x8f: {  	[tilespmem:s9], [sflag:$0x1] =	stream.indirect_vreg.gather [hbm4b:s1+s3], $0x80, v5, vm0, $0xb8;
	[tilespmem:$0x1A200] =	vst v63  }
0x90: {  	s12 =	rddreg [dreg:$0x18];
	v4 =	vperm.xlane v4, v3  }
0x91: {  	[tilespmem:s12], [sflag:$0x1] =	stream.indirect_vreg.gather [hbm4b:s4+s3], $0x80, v5, vm0, $0xb8;
	[tilespmem:$0x1A200] =	vst v63  }
0x92: {  	s13 =	rddreg [dreg:$0x19];
	v4 =	vadd.s32 v2, v4  }
0x93: {  	[tilespmem:s13], [sflag:$0x1] =	stream.indirect_vreg.gather [hbm4b:s5+s3], $0x80, v5, vm0, $0xb8;
	[tilespmem:$0x1A200] =	vst v63  }
0x94: {  	s2 =	rddreg [dreg:$0x1a]  }
0x95: {  	[tilespmem:s2], [sflag:$0x1] =	stream.indirect_vreg.gather [hbm4b:s6+s3], $0x80, v5, vm0, $0xb8;
	[tilespmem:$0x1A200] =	vst v63  }
0x96: {  	s13 =	rddreg [dreg:$0x1b]  }
0x97: {  	[tilespmem:s13], [sflag:$0x1] =	stream.indirect_vreg.gather [hbm4b:s1+s3], $0x80, v4, vm0, $0xb8;
	[tilespmem:$0x1A200] =	vst v63  }
0x98: {  	s2 =	rddreg [dreg:$0x1c]  }
0x99: {  	[tilespmem:s2], [sflag:$0x1] =	stream.indirect_vreg.gather [hbm4b:s4+s3], $0x80, v4, vm0, $0xb8;
	[tilespmem:$0x1A200] =	vst v63  }
0x9a: {  	s13 =	rddreg [dreg:$0x1d]  }
0x9b: {  	[tilespmem:s13], [sflag:$0x1] =	stream.indirect_vreg.gather [hbm4b:s5+s3], $0x80, v4, vm0, $0xb8;
	[tilespmem:$0x1A200] =	vst v63  }
0x9c: {  	s2 =	rddreg [dreg:$0x1e]  }
0x9d: {  	[tilespmem:s2], [sflag:$0x1] =	stream.indirect_vreg.gather [hbm4b:s6+s3], $0x80, v4, vm0, $0xb8;
	[tilespmem:$0x1A200] =	vst v63  }
0x9e: {  	v4 =	vld [tilespmem:$0x20]  }
0x9f: {  	v5 =	vld [tilespmem:$0xA0];
	_ =	sdelay $0x1  }
0xa0: {  	v6 =	vld [tilespmem:$0x30]  }
0xa1: {  	v61 =	vld [tilespmem:$0xB0]  }
0xa2: {  	v62 =	vadd.s32 v0, v4  }
0xa3: {  	v63 =	vadd.s32 v0, v5;
	[tilespmem:$0x140] =	vst v62  }
0xa4: {  	v4 =	vsub.s32 v5, v4;
	[tilespmem:$0x150] =	vst v63  }
0xa5: {  	[tilespmem:$0x1A0] =	vst v4;
	v4 =	vadd.s32 v0, v6  }
0xa6: {  	s13 =	sld [smem:$0x7EE];
	[tilespmem:$0x160] =	vst v4;
	v4 =	vadd.s32 v0, v61  }
0xa7: {  	s11 =	rddreg [dreg:$0x4];
	[tilespmem:$0x170] =	vst v4;
	v4 =	vsub.s32 v61, v6  }
0xa8: {  	s12 =	rddreg [dreg:$0x1f];
	s2 =	simm.s32 $0x18200;
	[tilespmem:$0x1B0] =	vst v4  }
0xa9: {  	[tilespmem:s2], [sflag:$0x3] =	stream.indirect.gather [hbm4b:s11+s12], $0x80, s13, s12, $0xb8;
	[tilespmem:$0x1A200] =	vst v63  }
0xaa: {  	_ =	swait.ge [sflag:s14], $0x2000  }
0xab: {  	s13 =	sld [smem:$0x7EF]  }
0xac: {  	[sflag:s14] =	ssyncset.done $0x0  }
0xad: {  	s12 =	rddreg [dreg:$0x7];
	[sflag:s14] =	ssyncadd.s32 $0xFFFFE000  }
0xae: {  	[hbm4b:s12+s13] =	stream.strided.scatter [tilespmem:s2], [sflag:$0x3], $0x2000, s30, s13, $0x38;
	[tilespmem:$0x1A200] =	vst v63  }
0xaf: {  	_ =	swait.ge [sflag:s8], $0x8000  }
0xb0: {  	[sflag:s8] =	ssyncset.done $0x0  }
0xb1: {  	s13 =	rddreg [dreg:$0x8];
	[sflag:s8] =	ssyncadd.s32 $0xFFFF8000  }
0xb2: {  	[hbm4b:s13+s31] =	stream.strided.scatter [tilespmem:s17], [sflag:$0x2], $0x4000, s30, s31, $0x38;
	[tilespmem:$0x1A200] =	vst v63  }
0xb3: {  	s2 =	rddreg [dreg:$0x9]  }
0xb4: {  	[hbm4b:s2+s31] =	stream.strided.scatter [tilespmem:s29], [sflag:$0x2], $0x4000, s30, s31, $0x38;
	[tilespmem:$0x1A200] =	vst v63  }
0xb5: {  	v4 =	vld [tilespmem:$0x140];
	_ =	sdelay $0x4  }
0xb6: {  	v5 =	vshll.u32 v4, $0x3  }
0xb7: {  	v4 =	vand.u32 $0x7, v4;
	v5 =	vand.u32 $0xFFFFFFC0, v5  }
0xb8: {  	v4 =	vor.u32 v4, v5  }
0xb9: {  	v5 =	vperm.xlane v4, v1;
	_ =	sdelay $0x1  }
0xba: {  	v5 =	vadd.s32 v2, v5;
	_ =	sdelay $0x3  }
0xbb: {  	s13 =	sld [smem:$0x7F0];
	s2 =	simm.s32 $0x10200  }
0xbc: {  	[tilespmem:s2], [sflag:$0x1] =	stream.indirect_vreg.gather [hbm4b:s1+s3], $0x80, v5, vm0, $0xb8;
	[tilespmem:$0x1A200] =	vst v63  }
0xbd: {  	s12 =	sld [smem:$0x7F1];
	v4 =	vperm.xlane v4, v3  }
0xbe: {  	[tilespmem:s13], [sflag:$0x1] =	stream.indirect_vreg.gather [hbm4b:s4+s3], $0x80, v5, vm0, $0xb8;
	[tilespmem:$0x1A200] =	vst v63  }
0xbf: {  	v4 =	vadd.s32 v2, v4;
	s13 =	sld [smem:$0x7F2]  }
0xc0: {  	[tilespmem:s12], [sflag:$0x1] =	stream.indirect_vreg.gather [hbm4b:s5+s3], $0x80, v5, vm0, $0xb8;
	[tilespmem:$0x1A200] =	vst v63  }
0xc1: {  	s12 =	sld [smem:$0x7F3]  }
0xc2: {  	[tilespmem:s13], [sflag:$0x1] =	stream.indirect_vreg.gather [hbm4b:s6+s3], $0x80, v5, vm0, $0xb8;
	[tilespmem:$0x1A200] =	vst v63  }
0xc3: {  	s13 =	sld [smem:$0x7F4]  }
0xc4: {  	[tilespmem:s12], [sflag:$0x1] =	stream.indirect_vreg.gather [hbm4b:s1+s3], $0x80, v4, vm0, $0xb8;
	[tilespmem:$0x1A200] =	vst v63  }
0xc5: {  	s12 =	sld [smem:$0x7F5]  }
0xc6: {  	[tilespmem:s13], [sflag:$0x1] =	stream.indirect_vreg.gather [hbm4b:s4+s3], $0x80, v4, vm0, $0xb8;
	[tilespmem:$0x1A200] =	vst v63  }
0xc7: {  	s13 =	sld [smem:$0x7F6]  }
0xc8: {  	[tilespmem:s12], [sflag:$0x1] =	stream.indirect_vreg.gather [hbm4b:s5+s3], $0x80, v4, vm0, $0xb8;
	[tilespmem:$0x1A200] =	vst v63  }
0xc9: {  	_ = 	snop  }
0xca: {  	[tilespmem:s13], [sflag:$0x1] =	stream.indirect_vreg.gather [hbm4b:s6+s3], $0x80, v4, vm0, $0xb8;
	[tilespmem:$0x1A200] =	vst v63  }
0xcb: {  	v4 =	vld [tilespmem:$0x150];
	_ =	sdelay $0x4  }
0xcc: {  	v5 =	vshll.u32 v4, $0x3  }
0xcd: {  	v4 =	vand.u32 $0x7, v4;
	v5 =	vand.u32 $0xFFFFFFC0, v5  }
0xce: {  	v4 =	vor.u32 v4, v5  }
0xcf: {  	v5 =	vperm.xlane v4, v1;
	_ =	sdelay $0x1  }
0xd0: {  	v5 =	vadd.s32 v2, v5;
	_ =	sdelay $0x3  }
0xd1: {  	s11 =	sld [smem:$0x7F7];
	s13 =	simm.s32 $0x14200  }
0xd2: {  	[tilespmem:s13], [sflag:$0x1] =	stream.indirect_vreg.gather [hbm4b:s1+s3], $0x80, v5, vm0, $0xb8;
	[tilespmem:$0x1A200] =	vst v63  }
0xd3: {  	s12 =	sld [smem:$0x7F8];
	v4 =	vperm.xlane v4, v3  }
0xd4: {  	[tilespmem:s11], [sflag:$0x1] =	stream.indirect_vreg.gather [hbm4b:s4+s3], $0x80, v5, vm0, $0xb8;
	[tilespmem:$0x1A200] =	vst v63  }
0xd5: {  	v4 =	vadd.s32 v2, v4;
	s11 =	sld [smem:$0x7F9]  }
0xd6: {  	[tilespmem:s12], [sflag:$0x1] =	stream.indirect_vreg.gather [hbm4b:s5+s3], $0x80, v5, vm0, $0xb8;
	[tilespmem:$0x1A200] =	vst v63  }
0xd7: {  	s12 =	sld [smem:$0x7FA]  }
0xd8: {  	[tilespmem:s11], [sflag:$0x1] =	stream.indirect_vreg.gather [hbm4b:s6+s3], $0x80, v5, vm0, $0xb8;
	[tilespmem:$0x1A200] =	vst v63  }
0xd9: {  	s11 =	sld [smem:$0x7FB]  }
0xda: {  	[tilespmem:s12], [sflag:$0x1] =	stream.indirect_vreg.gather [hbm4b:s1+s3], $0x80, v4, vm0, $0xb8;
	[tilespmem:$0x1A200] =	vst v63  }
0xdb: {  	s12 =	sld [smem:$0x7FC]  }
0xdc: {  	[tilespmem:s11], [sflag:$0x1] =	stream.indirect_vreg.gather [hbm4b:s4+s3], $0x80, v4, vm0, $0xb8;
	[tilespmem:$0x1A200] =	vst v63  }
0xdd: {  	s11 =	sld [smem:$0x7FD]  }
0xde: {  	[tilespmem:s12], [sflag:$0x1] =	stream.indirect_vreg.gather [hbm4b:s5+s3], $0x80, v4, vm0, $0xb8;
	[tilespmem:$0x1A200] =	vst v63  }
0xdf: {  	_ = 	snop  }
0xe0: {  	[tilespmem:s11], [sflag:$0x1] =	stream.indirect_vreg.gather [hbm4b:s6+s3], $0x80, v4, vm0, $0xb8;
	[tilespmem:$0x1A200] =	vst v63  }
0xe1: {  	_ =	swait.ge [sflag:s8], $0x8000  }
0xe2: {  	[sflag:s8] =	ssyncset.done $0x0  }
0xe3: {  	s11 =	rddreg [dreg:$0xa];
	[sflag:s8] =	ssyncadd.s32 $0xFFFF8000  }
0xe4: {  	[hbm4b:s11+s31] =	stream.strided.scatter [tilespmem:s0], [sflag:$0x2], $0x4000, s30, s31, $0x38;
	[tilespmem:$0x1A200] =	vst v63  }
0xe5: {  	s12 =	rddreg [dreg:$0xb]  }
0xe6: {  	[hbm4b:s12+s31] =	stream.strided.scatter [tilespmem:s9], [sflag:$0x2], $0x4000, s30, s31, $0x38;
	[tilespmem:$0x1A200] =	vst v63  }
0xe7: {  	_ =	swait.ge [sflag:s10], $0x4000  }
0xe8: {  	[sflag:s10] =	ssyncset.done $0x0  }
0xe9: {  	[sflag:s10] =	ssyncadd.s32 $0xFFFFC000  }
0xea: {  	_ =	swait.ge [sflag:s10], $0x4000  }
0xeb: {  	[sflag:s10] =	ssyncset.done $0x0  }
0xec: {  	[sflag:s10] =	ssyncadd.s32 $0xFFFFC000  }
0xed: {  	v4 =	vld [tilespmem:$0x160];
	_ =	sdelay $0x4  }
0xee: {  	v5 =	vshll.u32 v4, $0x3  }
0xef: {  	v4 =	vand.u32 $0x7, v4;
	v5 =	vand.u32 $0xFFFFFFC0, v5  }
0xf0: {  	v4 =	vor.u32 v4, v5  }
0xf1: {  	v5 =	vperm.xlane v4, v1;
	_ =	sdelay $0x1  }
0xf2: {  	v5 =	vadd.s32 v2, v5;
	_ =	sdelay $0x4  }
0xf3: {  	[tilespmem:s17], [sflag:$0x1] =	stream.indirect_vreg.gather [hbm4b:s1+s3], $0x80, v5, vm0, $0xb8;
	[tilespmem:$0x1A200] =	vst v63  }
0xf4: {  	s12 =	simm.s32 $0xA00;
	v4 =	vperm.xlane v4, v3  }
0xf5: {  	[tilespmem:s12], [sflag:$0x1] =	stream.indirect_vreg.gather [hbm4b:s4+s3], $0x80, v5, vm0, $0xb8;
	[tilespmem:$0x1A200] =	vst v63  }
0xf6: {  	v4 =	vadd.s32 v2, v4  }
0xf7: {  	[tilespmem:s15], [sflag:$0x1] =	stream.indirect_vreg.gather [hbm4b:s5+s3], $0x80, v5, vm0, $0xb8;
	[tilespmem:$0x1A200] =	vst v63  }
0xf8: {  	_ = 	snop  }
0xf9: {  	[tilespmem:s16], [sflag:$0x1] =	stream.indirect_vreg.gather [hbm4b:s6+s3], $0x80, v5, vm0, $0xb8;
	[tilespmem:$0x1A200] =	vst v63  }
0xfa: {  	_ = 	snop  }
0xfb: {  	[tilespmem:s18], [sflag:$0x1] =	stream.indirect_vreg.gather [hbm4b:s1+s3], $0x80, v4, vm0, $0xb8;
	[tilespmem:$0x1A200] =	vst v63  }
0xfc: {  	_ = 	snop  }
0xfd: {  	[tilespmem:s19], [sflag:$0x1] =	stream.indirect_vreg.gather [hbm4b:s4+s3], $0x80, v4, vm0, $0xb8;
	[tilespmem:$0x1A200] =	vst v63  }
0xfe: {  	_ = 	snop  }
0xff: {  	[tilespmem:s20], [sflag:$0x1] =	stream.indirect_vreg.gather [hbm4b:s5+s3], $0x80, v4, vm0, $0xb8;
	[tilespmem:$0x1A200] =	vst v63  }
0x100: {  	_ = 	snop  }
0x101: {  	[tilespmem:s21], [sflag:$0x1] =	stream.indirect_vreg.gather [hbm4b:s6+s3], $0x80, v4, vm0, $0xb8;
	[tilespmem:$0x1A200] =	vst v63  }
0x102: {  	v4 =	vld [tilespmem:$0x170];
	_ =	sdelay $0x4  }
0x103: {  	v5 =	vshll.u32 v4, $0x3  }
0x104: {  	v4 =	vand.u32 $0x7, v4;
	v5 =	vand.u32 $0xFFFFFFC0, v5  }
0x105: {  	v4 =	vor.u32 v4, v5  }
0x106: {  	v5 =	vperm.xlane v4, v1;
	_ =	sdelay $0x1  }
0x107: {  	v5 =	vadd.s32 v2, v5;
	_ =	sdelay $0x4  }
0x108: {  	[tilespmem:s29], [sflag:$0x1] =	stream.indirect_vreg.gather [hbm4b:s1+s3], $0x80, v5, vm0, $0xb8;
	[tilespmem:$0x1A200] =	vst v63  }
0x109: {  	v4 =	vperm.xlane v4, v3  }
0x10a: {  	[tilespmem:s22], [sflag:$0x1] =	stream.indirect_vreg.gather [hbm4b:s4+s3], $0x80, v5, vm0, $0xb8;
	[tilespmem:$0x1A200] =	vst v63  }
0x10b: {  	v4 =	vadd.s32 v2, v4  }
0x10c: {  	[tilespmem:s23], [sflag:$0x1] =	stream.indirect_vreg.gather [hbm4b:s5+s3], $0x80, v5, vm0, $0xb8;
	[tilespmem:$0x1A200] =	vst v63  }
0x10d: {  	_ = 	snop  }
0x10e: {  	[tilespmem:s24], [sflag:$0x1] =	stream.indirect_vreg.gather [hbm4b:s6+s3], $0x80, v5, vm0, $0xb8;
	[tilespmem:$0x1A200] =	vst v63  }
0x10f: {  	_ = 	snop  }
0x110: {  	[tilespmem:s25], [sflag:$0x1] =	stream.indirect_vreg.gather [hbm4b:s1+s3], $0x80, v4, vm0, $0xb8;
	[tilespmem:$0x1A200] =	vst v63  }
0x111: {  	_ = 	snop  }
0x112: {  	[tilespmem:s26], [sflag:$0x1] =	stream.indirect_vreg.gather [hbm4b:s4+s3], $0x80, v4, vm0, $0xb8;
	[tilespmem:$0x1A200] =	vst v63  }
0x113: {  	_ = 	snop  }
0x114: {  	[tilespmem:s28], [sflag:$0x1] =	stream.indirect_vreg.gather [hbm4b:s5+s3], $0x80, v4, vm0, $0xb8;
	[tilespmem:$0x1A200] =	vst v63  }
0x115: {  	s11 =	simm.s32 $0x7A00  }
0x116: {  	[tilespmem:s11], [sflag:$0x1] =	stream.indirect_vreg.gather [hbm4b:s6+s3], $0x80, v4, vm0, $0xb8;
	[tilespmem:$0x1A200] =	vst v63  }
0x117: {  	_ =	swait.ge [sflag:s8], $0x8000  }
0x118: {  	[sflag:s8] =	ssyncset.done $0x0  }
0x119: {  	s12 =	rddreg [dreg:$0xc];
	[sflag:s8] =	ssyncadd.s32 $0xFFFF8000  }
0x11a: {  	[hbm4b:s12+s31] =	stream.strided.scatter [tilespmem:s2], [sflag:$0x2], $0x4000, s30, s31, $0x38;
	[tilespmem:$0x1A200] =	vst v63  }
0x11b: {  	s0 =	rddreg [dreg:$0xd]  }
0x11c: {  	[hbm4b:s0+s31] =	stream.strided.scatter [tilespmem:s13], [sflag:$0x2], $0x4000, s30, s31, $0x38;
	[tilespmem:$0x1A200] =	vst v63  }
0x11d: {  	_ =	swait.ge [sflag:s8], $0x8000  }
0x11e: {  	[sflag:s8] =	ssyncset.done $0x0  }
0x11f: {  	s12 =	rddreg [dreg:$0xe];
	[sflag:s8] =	ssyncadd.s32 $0xFFFF8000  }
0x120: {  	[hbm4b:s12+s31] =	stream.strided.scatter [tilespmem:s17], [sflag:$0x2], $0x4000, s30, s31, $0x38;
	[tilespmem:$0x1A200] =	vst v63  }
0x121: {  	s13 =	rddreg [dreg:$0xf]  }
0x122: {  	[hbm4b:s13+s31] =	stream.strided.scatter [tilespmem:s29], [sflag:$0x2], $0x4000, s30, s31, $0x38;
	[tilespmem:$0x1A200] =	vst v63  }
0x123: {  	_ =	swait.ge [sflag:s10], $0x4000  }
0x124: {  	[sflag:s10] =	ssyncset.done $0x0  }
0x125: {  	[sflag:s10] =	ssyncadd.s32 $0xFFFFC000  }
0x126: {  	_ =	swait.ge [sflag:s10], $0x4000  }
0x127: {  	[sflag:s10] =	ssyncset.done $0x0  }
0x128: {  	[sflag:s10] =	ssyncadd.s32 $0xFFFFC000  }
0x129: {  	_ =	swait.ge [sflag:s10], $0x4000  }
0x12a: {  	[sflag:s10] =	ssyncset.done $0x0  }
0x12b: {  	[sflag:s10] =	ssyncadd.s32 $0xFFFFC000  }
0x12c: {  	_ =	swait.ge [sflag:s10], $0x4000  }
0x12d: {  	[sflag:s10] =	ssyncset.done $0x0  }
0x12e: {  	[sflag:s10] =	ssyncadd.s32 $0xFFFFC000  }
0x12f: {  	_ =	swait.ge [sflag:s10], $0x4000  }
0x130: {  	[sflag:s10] =	ssyncset.done $0x0  }
0x131: {  	[sflag:s10] =	ssyncadd.s32 $0xFFFFC000  }
0x132: {  	p0 =	sne.s32 s7, $0x1;
	_ =	swait.ge [sflag:s10], $0x4000  }
.Ltmp0:
0x133: {  	[sflag:s10] =	ssyncset.done $0x0;
	(pc) =	sbr.rel @p0 .LBB2_1-.Ltmp0, $4  }
0x134: {  	[sflag:s10] =	ssyncadd.s32 $0xFFFFC000  }
0x135: {  	_ =	swait.ge [sflag:s14], $0x2000  }
0x136: {  	[sflag:s14] =	ssyncset.done $0x0  }
0x137: {  	s7 =	sadd.s32 $0xFFFFFFFF, s7;
	[sflag:s14] =	ssyncadd.s32 $0xFFFFE000  }
0x138: {  	_ =	sfence.sel $0x180000  }
0x139: {  	[bflag:$0x0] =	sbarrier.arrive $0xFFFF  }
0x13a: {  	_ =	strace $0x90000047  }
0x13b: {  	s0 =	stileid.u32;
	[bflag:$0x2] =	sbarrier.arrive $0xFFFF  }
0x13c: {  	p0 =	sne.s32 s0, $0x0;
	s0 =	rddreg [dreg:$0x3]  }
0x13d: {  	s0 =	sadd.s32 @!p0 $0x100000, s0  }
0x13e: {  	[sflag:s0] =	ssyncadd.tile.s32 @!p0 $0x1;
	_ =	shalt  }
.Lfunc_end2:
_tile_overlayer_lowered:
.L_overlay_start_2:
0x13f: {  	(tag) =	ssettag $0x2  }
0x140: {  	s0 =	rddreg [dreg:$0x0];
	s2 =	stileid.u32  }
0x141: {  	s1 =	rddreg [dreg:$0x1];
	p0 =	sne.s32 s2, $0x0  }
0x142: {  	s3 =	rddreg [dreg:$0x2];
	[bflag:$0x3] =	sbarrier.arrive $0xFFFF;
	s2 =	simm.s32 @!p0 $0x1C04  }
0x143: {  	[timem:s3], [sflag:s2] =	dma.local @!p0 [hbm:s0], s1  }
0x144: {  	s0 =	simm.s32 @!p0 $0x4  }
0x145: {  	_ =	swait.ge @!p0 [sflag:s0], s1  }
0x146: {  	s1 =	ssub.s32 @!p0 $0x0, s1;
	[sflag:s0] =	ssyncset.done @!p0 $0x0  }
0x147: {  	[sflag:s0] =	ssyncadd.s32 @!p0 s1  }
0x148: {  	[bflag:$0x3] =	sbarrier.arrive $0xFFFF  }
0x149: {  	_ =	shalt  }

</sc_bundles>
